<compile_context>
chip_gen: v7x
topology: tpu7x:2x2x1
jax: 0.10.2.dev20260603
libtpu: 0.0.44.dev20260713+nightly
codegen_flags: <defaults>
</compile_context>

<pallas_src>
import functools

import jax
import jax.numpy as jnp
from jax import lax
from jax.experimental import pallas as pl
from jax.experimental.pallas import tpu as pltpu
from jax.experimental.pallas import tpu_sc as plsc

B, C, HW = 16, 64, 1024
K = 8192
SUB = 512
NSUB = K // SUB
N = B * HW



def _s1_body(x_ref, e_ref, ind_ref, cb_ref):
    b = pl.program_id(0)
    xb = x_ref[0]

    @pl.when(b == 0)
    def _():
        cb_ref[...] = jnp.transpose(e_ref[...])

    xt = jnp.transpose(xb)
    x2c = jnp.sum(xt * xt, axis=1, keepdims=True)
    x2 = jnp.transpose(x2c)
    iota = lax.broadcasted_iota(jnp.int32, (SUB, HW), 0)

    minv = None
    mind = None
    for j in range(NSUB):
        et = e_ref[:, j * SUB:(j + 1) * SUB]
        mm = lax.dot_general(et, xb, (((0,), (0,)), ((), ())),
                             preferred_element_type=jnp.float32)
        e2r = jnp.sum(et * et, axis=0, keepdims=True)
        e2 = jnp.transpose(e2r)
        d = (x2 - 2.0 * mm) + e2
        tmin = jnp.min(d, axis=0, keepdims=True)
        targ = (jnp.min(jnp.where(d == tmin, iota, jnp.int32(2**30)),
                        axis=0, keepdims=True) + j * SUB)
        if j == 0:
            minv, mind = tmin, targ
        else:
            upd = tmin < minv
            minv = jnp.where(upd, tmin, minv)
            mind = jnp.where(upd, targ, mind)
    ind_ref[...] = mind.reshape(8, 128)


def _argmin_call(x_r, emb):
    return pl.pallas_call(
        _s1_body,
        grid=(B,),
        in_specs=[
            pl.BlockSpec((1, C, HW), lambda b: (b, 0, 0)),
            pl.BlockSpec((C, K), lambda b: (0, 0)),
        ],
        out_specs=[
            pl.BlockSpec((8, 128), lambda b: (b, 0)),
            pl.BlockSpec((K, C), lambda b: (0, 0)),
        ],
        out_shape=[
            jax.ShapeDtypeStruct((N // 128, 128), jnp.int32),
            jax.ShapeDtypeStruct((K, C), jnp.float32),
        ],
    )(x_r, emb)



_NW = 32
_BPW = N // _NW
_CH = _BPW // 128


def _make_gather():
    mesh = plsc.VectorSubcoreMesh(core_axis_name="c", subcore_axis_name="s")

    @functools.partial(
        pl.kernel,
        mesh=mesh,
        compiler_params=pltpu.CompilerParams(use_tc_tiling_on_sc=False),
        out_type=jax.ShapeDtypeStruct((N, C), jnp.float32),
        scratch_types=[
            pltpu.VMEM((_CH, 128), jnp.int32),
            pltpu.VMEM((_CH, 128, C), jnp.float32),
            pltpu.SemaphoreType.DMA,
        ],
    )
    def gather_k(table_hbm, idx_hbm, out_hbm, idx_v, rows_v, sem):
        wid = lax.axis_index("s") * 2 + lax.axis_index("c")
        base = wid * _BPW
        pltpu.sync_copy(idx_hbm.at[pl.ds(wid * _CH, _CH)], idx_v)
        copies = [
            pltpu.async_copy(table_hbm.at[idx_v.at[j]], rows_v.at[j], sem)
            for j in range(_CH)
        ]
        for cp in copies:
            cp.wait()
        for j in range(_CH):
            pltpu.sync_copy(rows_v.at[j],
                            out_hbm.at[pl.ds(base + j * 128, 128)])

    return gather_k



def _s3_body(q_ref, x_ref, out_ref, diff_ref):
    b = pl.program_id(0)
    qb = q_ref[0]
    xb = x_ref[0]
    qt = jnp.transpose(qb)
    st = qt - xb
    out_ref[0] = xb + st
    p = jnp.full((1, 128), jnp.sum(st * st), dtype=jnp.float32)

    @pl.when(b == 0)
    def _():
        diff_ref[...] = p

    @pl.when(b > 0)
    def _():
        diff_ref[...] = diff_ref[...] + p


def _finish_call(q, x_r):
    return pl.pallas_call(
        _s3_body,
        grid=(B,),
        in_specs=[
            pl.BlockSpec((1, HW, C), lambda b: (b, 0, 0)),
            pl.BlockSpec((1, C, HW), lambda b: (b, 0, 0)),
        ],
        out_specs=[
            pl.BlockSpec((1, C, HW), lambda b: (b, 0, 0)),
            pl.BlockSpec((1, 128), lambda b: (0, 0)),
        ],
        out_shape=[
            jax.ShapeDtypeStruct((B, C, HW), jnp.float32),
            jax.ShapeDtypeStruct((1, 128), jnp.float32),
        ],
    )(q, x_r)


def kernel(input, embedding):
    x_r = input.reshape(B, C, HW)
    ind, codebook = _argmin_call(x_r, embedding)
    q = _make_gather()(codebook, ind)
    quant, diffp = _finish_call(q.reshape(B, HW, C), x_r)
    diff = diffp[0, 0] / jnp.float32(N * C)
    return (quant.reshape(B, C, 32, 32), diff,
            ind.reshape(B, 32, 32))

# --- scband reference (transcript-rebuilt; emitter-appended) ---
"""Pipeline reference for scband-vector-quantization-21517786153013 (READ-ONLY COPY).

The authoritative reference and input builder live on the scoring server;
editing this copy changes nothing except your own understanding.
"""

import jax, jax.numpy as jnp
import numpy as np

B, C, H, W = 16, 64, 32, 32
K = 8192


def setup_inputs(seed: int = 0) -> dict:
    key = jax.random.key(seed)
    k1, k2 = jax.random.split(key)
    x = jax.random.normal(k1, (B, C, H, W), dtype=jnp.float32)
    # embedding buffer: [embedding_dim, num_embedding]
    embedding = jax.random.normal(k2, (C, K), dtype=jnp.float32)
    return {"input": x, "embedding": embedding}


def reference(input, embedding):
    # permute NCHW -> NHWC
    inp = jnp.transpose(input, (0, 2, 3, 1))
    input_shape = inp.shape
    flatten = inp.reshape(-1, embedding.shape[0])
    dist = (
        jnp.sum(flatten ** 2, axis=1, keepdims=True)
        - 2.0 * (flatten @ embedding)
        + jnp.sum(embedding ** 2, axis=0, keepdims=True)
    )
    embedding_ind = jnp.argmin(dist, axis=1)
    codebook = embedding.T  # [K, dim]
    quantize = jnp.take(codebook, embedding_ind, axis=0).reshape(input_shape)
    embedding_ind = embedding_ind.reshape(input_shape[:-1])
    # eval mode: no EMA buffer updates
    diff = jnp.mean((jax.lax.stop_gradient(quantize) - inp) ** 2)
    quantize = inp + jax.lax.stop_gradient(quantize - inp)
    quantize = jnp.transpose(quantize, (0, 3, 1, 2))
    return (quantize, diff, embedding_ind)

if __name__ == "__main__":
    import jax
    _d = setup_inputs()
    print(jax.jit(kernel)(*tuple(_d.values())))

</pallas_src>

<mosaic_0001>
#map = affine_map<(d0, d1) -> (0, 0)>
module attributes {stable_mosaic.version = 14 : i64} {
  func.func @gather_k(%arg0: i32, %arg1: i32, %arg2: memref<8192x64xf32, #tpu.memory_space<hbm>>, %arg3: memref<128x128xi32, #tpu.memory_space<hbm>>, %arg4: memref<16384x64xf32, #tpu.memory_space<hbm>>, %arg5: memref<4x128xi32, #tpu.memory_space<vmem>>, %arg6: memref<4x128x64xf32, #tpu.memory_space<vmem>>, %arg7: memref<!tpu.dma_semaphore, #tpu.memory_space<semaphore_mem>>) attributes {dimension_semantics = [#tpu.dimension_semantics<core_parallel>, #tpu.dimension_semantics<subcore_parallel>], iteration_bounds = array<i64: 2, 16>, scalar_prefetch = 0 : i64, scratch_operands = 3 : i64, tpu.core_type = #tpu.core_type<sc_vector_subcore>, window_params = [{transform_indices = #map}, {transform_indices = #map}, {transform_indices = #map}]} {
    %mul3A = arith.constant 2 : i32
    %mul3A_0 = arith.muli %arg1, %mul3A : i32
    %add3A = arith.addi %mul3A_0, %arg0 : i32
    %mul3A_1 = arith.constant 512 : i32
    %mul3A_2 = arith.muli %add3A, %mul3A_1 : i32
    %mul3A_3 = arith.constant 4 : i32
    %mul3A_4 = arith.muli %add3A, %mul3A_3 : i32
    "tpu.region"() ({
      %run_scoped3A_110 = tpu.sem_alloc : memref<!tpu.dma_semaphore, #tpu.memory_space<semaphore_mem>>
      %dma_start3A_111 = arith.constant 0 : i32
      %dma_start3A_112 = tpu.memref_slice %arg3[%mul3A_4, %dma_start3A_111] : memref<128x128xi32, #tpu.memory_space<hbm>> -> memref<4x128xi32, #tpu.memory_space<hbm>>
      %dma_start3A_113 = arith.constant 0 : i32
      %dma_start3A_114 = tpu.memref_slice %arg3[%mul3A_4, %dma_start3A_113] : memref<128x128xi32, #tpu.memory_space<hbm>> -> memref<4x128xi32, #tpu.memory_space<hbm>>
      tpu.enqueue_dma source(%dma_start3A_114 : memref<4x128xi32, #tpu.memory_space<hbm>>) target(%arg5 : memref<4x128xi32, #tpu.memory_space<vmem>>) target_semaphore(%run_scoped3A_110 : memref<!tpu.dma_semaphore, #tpu.memory_space<semaphore_mem>>)
      %dma_wait3A_115 = arith.constant 0 : i32
      %dma_wait3A_116 = tpu.memref_slice %arg3[%mul3A_4, %dma_wait3A_115] : memref<128x128xi32, #tpu.memory_space<hbm>> -> memref<4x128xi32, #tpu.memory_space<hbm>>
      %dma_wait3A_117 = arith.constant 0 : i32
      %dma_wait3A_118 = tpu.memref_slice %arg3[%mul3A_4, %dma_wait3A_117] : memref<128x128xi32, #tpu.memory_space<hbm>> -> memref<4x128xi32, #tpu.memory_space<hbm>>
      tpu.wait_dma2 semaphore(%run_scoped3A_110 : memref<!tpu.dma_semaphore, #tpu.memory_space<semaphore_mem>>) src(%dma_wait3A_118 : memref<4x128xi32, #tpu.memory_space<hbm>>) dst(%arg5 : memref<4x128xi32, #tpu.memory_space<vmem>>)
      tpu.yield
    }) : () -> ()
    %dma_start3A = arith.constant 0 : i32
    %dma_start3A_5 = arith.constant 0 : i32
    %dma_start3A_6 = arith.constant 0 : i32
    %dma_start3A_7 = arith.constant 0 : i32
    %dma_start3A_8 = tpu.memref_slice %arg6[%dma_start3A_5, %dma_start3A_6, %dma_start3A_7] : memref<4x128x64xf32, #tpu.memory_space<vmem>> -> memref<1x128x64xf32, #tpu.memory_space<vmem>>
    %dma_start3A_9 = tpu.memref_squeeze %dma_start3A_8 : memref<1x128x64xf32, #tpu.memory_space<vmem>> -> memref<128x64xf32, #tpu.memory_space<vmem>>
    %dma_start3A_10 = arith.constant 0 : i32
    %dma_start3A_11 = tpu.memref_slice %arg5[%dma_start3A, %dma_start3A_10] : memref<4x128xi32, #tpu.memory_space<vmem>> -> memref<1x128xi32, #tpu.memory_space<vmem>>
    %dma_start3A_12 = tpu.memref_squeeze %dma_start3A_11 : memref<1x128xi32, #tpu.memory_space<vmem>> -> memref<128xi32, #tpu.memory_space<vmem>>
    %dma_start3A_13 = arith.constant 0 : i32
    %dma_start3A_14 = arith.constant 0 : i32
    %dma_start3A_15 = tpu.memref_slice %arg2[%dma_start3A_13, %dma_start3A_14] : memref<8192x64xf32, #tpu.memory_space<hbm>> -> memref<8192x64xf32, #tpu.memory_space<hbm>>
    tpu.enqueue_indirect_dma source(%dma_start3A_15 : memref<8192x64xf32, #tpu.memory_space<hbm>>) target(%dma_start3A_9 : memref<128x64xf32, #tpu.memory_space<vmem>>) offsets(%dma_start3A_12 : memref<128xi32, #tpu.memory_space<vmem>>) semaphore(%arg7 : memref<!tpu.dma_semaphore, #tpu.memory_space<semaphore_mem>>)
    %dma_start3A_16 = arith.constant 1 : i32
    %dma_start3A_17 = arith.constant 1 : i32
    %dma_start3A_18 = arith.constant 0 : i32
    %dma_start3A_19 = arith.constant 0 : i32
    %dma_start3A_20 = tpu.memref_slice %arg6[%dma_start3A_17, %dma_start3A_18, %dma_start3A_19] : memref<4x128x64xf32, #tpu.memory_space<vmem>> -> memref<1x128x64xf32, #tpu.memory_space<vmem>>
    %dma_start3A_21 = tpu.memref_squeeze %dma_start3A_20 : memref<1x128x64xf32, #tpu.memory_space<vmem>> -> memref<128x64xf32, #tpu.memory_space<vmem>>
    %dma_start3A_22 = arith.constant 0 : i32
    %dma_start3A_23 = tpu.memref_slice %arg5[%dma_start3A_16, %dma_start3A_22] : memref<4x128xi32, #tpu.memory_space<vmem>> -> memref<1x128xi32, #tpu.memory_space<vmem>>
    %dma_start3A_24 = tpu.memref_squeeze %dma_start3A_23 : memref<1x128xi32, #tpu.memory_space<vmem>> -> memref<128xi32, #tpu.memory_space<vmem>>
    %dma_start3A_25 = arith.constant 0 : i32
    %dma_start3A_26 = arith.constant 0 : i32
    %dma_start3A_27 = tpu.memref_slice %arg2[%dma_start3A_25, %dma_start3A_26] : memref<8192x64xf32, #tpu.memory_space<hbm>> -> memref<8192x64xf32, #tpu.memory_space<hbm>>
    tpu.enqueue_indirect_dma source(%dma_start3A_27 : memref<8192x64xf32, #tpu.memory_space<hbm>>) target(%dma_start3A_21 : memref<128x64xf32, #tpu.memory_space<vmem>>) offsets(%dma_start3A_24 : memref<128xi32, #tpu.memory_space<vmem>>) semaphore(%arg7 : memref<!tpu.dma_semaphore, #tpu.memory_space<semaphore_mem>>)
    %dma_start3A_28 = arith.constant 2 : i32
    %dma_start3A_29 = arith.constant 2 : i32
    %dma_start3A_30 = arith.constant 0 : i32
    %dma_start3A_31 = arith.constant 0 : i32
    %dma_start3A_32 = tpu.memref_slice %arg6[%dma_start3A_29, %dma_start3A_30, %dma_start3A_31] : memref<4x128x64xf32, #tpu.memory_space<vmem>> -> memref<1x128x64xf32, #tpu.memory_space<vmem>>
    %dma_start3A_33 = tpu.memref_squeeze %dma_start3A_32 : memref<1x128x64xf32, #tpu.memory_space<vmem>> -> memref<128x64xf32, #tpu.memory_space<vmem>>
    %dma_start3A_34 = arith.constant 0 : i32
    %dma_start3A_35 = tpu.memref_slice %arg5[%dma_start3A_28, %dma_start3A_34] : memref<4x128xi32, #tpu.memory_space<vmem>> -> memref<1x128xi32, #tpu.memory_space<vmem>>
    %dma_start3A_36 = tpu.memref_squeeze %dma_start3A_35 : memref<1x128xi32, #tpu.memory_space<vmem>> -> memref<128xi32, #tpu.memory_space<vmem>>
    %dma_start3A_37 = arith.constant 0 : i32
    %dma_start3A_38 = arith.constant 0 : i32
    %dma_start3A_39 = tpu.memref_slice %arg2[%dma_start3A_37, %dma_start3A_38] : memref<8192x64xf32, #tpu.memory_space<hbm>> -> memref<8192x64xf32, #tpu.memory_space<hbm>>
    tpu.enqueue_indirect_dma source(%dma_start3A_39 : memref<8192x64xf32, #tpu.memory_space<hbm>>) target(%dma_start3A_33 : memref<128x64xf32, #tpu.memory_space<vmem>>) offsets(%dma_start3A_36 : memref<128xi32, #tpu.memory_space<vmem>>) semaphore(%arg7 : memref<!tpu.dma_semaphore, #tpu.memory_space<semaphore_mem>>)
    %dma_start3A_40 = arith.constant 3 : i32
    %dma_start3A_41 = arith.constant 3 : i32
    %dma_start3A_42 = arith.constant 0 : i32
    %dma_start3A_43 = arith.constant 0 : i32
    %dma_start3A_44 = tpu.memref_slice %arg6[%dma_start3A_41, %dma_start3A_42, %dma_start3A_43] : memref<4x128x64xf32, #tpu.memory_space<vmem>> -> memref<1x128x64xf32, #tpu.memory_space<vmem>>
    %dma_start3A_45 = tpu.memref_squeeze %dma_start3A_44 : memref<1x128x64xf32, #tpu.memory_space<vmem>> -> memref<128x64xf32, #tpu.memory_space<vmem>>
    %dma_start3A_46 = arith.constant 0 : i32
    %dma_start3A_47 = tpu.memref_slice %arg5[%dma_start3A_40, %dma_start3A_46] : memref<4x128xi32, #tpu.memory_space<vmem>> -> memref<1x128xi32, #tpu.memory_space<vmem>>
    %dma_start3A_48 = tpu.memref_squeeze %dma_start3A_47 : memref<1x128xi32, #tpu.memory_space<vmem>> -> memref<128xi32, #tpu.memory_space<vmem>>
    %dma_start3A_49 = arith.constant 0 : i32
    %dma_start3A_50 = arith.constant 0 : i32
    %dma_start3A_51 = tpu.memref_slice %arg2[%dma_start3A_49, %dma_start3A_50] : memref<8192x64xf32, #tpu.memory_space<hbm>> -> memref<8192x64xf32, #tpu.memory_space<hbm>>
    tpu.enqueue_indirect_dma source(%dma_start3A_51 : memref<8192x64xf32, #tpu.memory_space<hbm>>) target(%dma_start3A_45 : memref<128x64xf32, #tpu.memory_space<vmem>>) offsets(%dma_start3A_48 : memref<128xi32, #tpu.memory_space<vmem>>) semaphore(%arg7 : memref<!tpu.dma_semaphore, #tpu.memory_space<semaphore_mem>>)
    %dma_wait3A = arith.constant 0 : i32
    %dma_wait3A_52 = arith.constant 0 : i32
    %dma_wait3A_53 = arith.constant 0 : i32
    %dma_wait3A_54 = arith.constant 0 : i32
    %dma_wait3A_55 = tpu.memref_slice %arg6[%dma_wait3A_52, %dma_wait3A_53, %dma_wait3A_54] : memref<4x128x64xf32, #tpu.memory_space<vmem>> -> memref<1x128x64xf32, #tpu.memory_space<vmem>>
    %dma_wait3A_56 = tpu.memref_squeeze %dma_wait3A_55 : memref<1x128x64xf32, #tpu.memory_space<vmem>> -> memref<128x64xf32, #tpu.memory_space<vmem>>
    %dma_wait3A_57 = arith.constant 0 : i32
    %dma_wait3A_58 = tpu.memref_slice %arg5[%dma_wait3A, %dma_wait3A_57] : memref<4x128xi32, #tpu.memory_space<vmem>> -> memref<1x128xi32, #tpu.memory_space<vmem>>
    %dma_wait3A_59 = tpu.memref_squeeze %dma_wait3A_58 : memref<1x128xi32, #tpu.memory_space<vmem>> -> memref<128xi32, #tpu.memory_space<vmem>>
    %dma_wait3A_60 = arith.constant 0 : i32
    %dma_wait3A_61 = arith.constant 0 : i32
    %dma_wait3A_62 = tpu.memref_slice %arg2[%dma_wait3A_60, %dma_wait3A_61] : memref<8192x64xf32, #tpu.memory_space<hbm>> -> memref<8192x64xf32, #tpu.memory_space<hbm>>
    tpu.wait_indirect_dma semaphore(%arg7 : memref<!tpu.dma_semaphore, #tpu.memory_space<semaphore_mem>>) src(%dma_wait3A_62 : memref<8192x64xf32, #tpu.memory_space<hbm>>) dst(%dma_wait3A_56 : memref<128x64xf32, #tpu.memory_space<vmem>>)
    %dma_wait3A_63 = arith.constant 1 : i32
    %dma_wait3A_64 = arith.constant 1 : i32
    %dma_wait3A_65 = arith.constant 0 : i32
    %dma_wait3A_66 = arith.constant 0 : i32
    %dma_wait3A_67 = tpu.memref_slice %arg6[%dma_wait3A_64, %dma_wait3A_65, %dma_wait3A_66] : memref<4x128x64xf32, #tpu.memory_space<vmem>> -> memref<1x128x64xf32, #tpu.memory_space<vmem>>
    %dma_wait3A_68 = tpu.memref_squeeze %dma_wait3A_67 : memref<1x128x64xf32, #tpu.memory_space<vmem>> -> memref<128x64xf32, #tpu.memory_space<vmem>>
    %dma_wait3A_69 = arith.constant 0 : i32
    %dma_wait3A_70 = tpu.memref_slice %arg5[%dma_wait3A_63, %dma_wait3A_69] : memref<4x128xi32, #tpu.memory_space<vmem>> -> memref<1x128xi32, #tpu.memory_space<vmem>>
    %dma_wait3A_71 = tpu.memref_squeeze %dma_wait3A_70 : memref<1x128xi32, #tpu.memory_space<vmem>> -> memref<128xi32, #tpu.memory_space<vmem>>
    %dma_wait3A_72 = arith.constant 0 : i32
    %dma_wait3A_73 = arith.constant 0 : i32
    %dma_wait3A_74 = tpu.memref_slice %arg2[%dma_wait3A_72, %dma_wait3A_73] : memref<8192x64xf32, #tpu.memory_space<hbm>> -> memref<8192x64xf32, #tpu.memory_space<hbm>>
    tpu.wait_indirect_dma semaphore(%arg7 : memref<!tpu.dma_semaphore, #tpu.memory_space<semaphore_mem>>) src(%dma_wait3A_74 : memref<8192x64xf32, #tpu.memory_space<hbm>>) dst(%dma_wait3A_68 : memref<128x64xf32, #tpu.memory_space<vmem>>)
    %dma_wait3A_75 = arith.constant 2 : i32
    %dma_wait3A_76 = arith.constant 2 : i32
    %dma_wait3A_77 = arith.constant 0 : i32
    %dma_wait3A_78 = arith.constant 0 : i32
    %dma_wait3A_79 = tpu.memref_slice %arg6[%dma_wait3A_76, %dma_wait3A_77, %dma_wait3A_78] : memref<4x128x64xf32, #tpu.memory_space<vmem>> -> memref<1x128x64xf32, #tpu.memory_space<vmem>>
    %dma_wait3A_80 = tpu.memref_squeeze %dma_wait3A_79 : memref<1x128x64xf32, #tpu.memory_space<vmem>> -> memref<128x64xf32, #tpu.memory_space<vmem>>
    %dma_wait3A_81 = arith.constant 0 : i32
    %dma_wait3A_82 = tpu.memref_slice %arg5[%dma_wait3A_75, %dma_wait3A_81] : memref<4x128xi32, #tpu.memory_space<vmem>> -> memref<1x128xi32, #tpu.memory_space<vmem>>
    %dma_wait3A_83 = tpu.memref_squeeze %dma_wait3A_82 : memref<1x128xi32, #tpu.memory_space<vmem>> -> memref<128xi32, #tpu.memory_space<vmem>>
    %dma_wait3A_84 = arith.constant 0 : i32
    %dma_wait3A_85 = arith.constant 0 : i32
    %dma_wait3A_86 = tpu.memref_slice %arg2[%dma_wait3A_84, %dma_wait3A_85] : memref<8192x64xf32, #tpu.memory_space<hbm>> -> memref<8192x64xf32, #tpu.memory_space<hbm>>
    tpu.wait_indirect_dma semaphore(%arg7 : memref<!tpu.dma_semaphore, #tpu.memory_space<semaphore_mem>>) src(%dma_wait3A_86 : memref<8192x64xf32, #tpu.memory_space<hbm>>) dst(%dma_wait3A_80 : memref<128x64xf32, #tpu.memory_space<vmem>>)
    %dma_wait3A_87 = arith.constant 3 : i32
    %dma_wait3A_88 = arith.constant 3 : i32
    %dma_wait3A_89 = arith.constant 0 : i32
    %dma_wait3A_90 = arith.constant 0 : i32
    %dma_wait3A_91 = tpu.memref_slice %arg6[%dma_wait3A_88, %dma_wait3A_89, %dma_wait3A_90] : memref<4x128x64xf32, #tpu.memory_space<vmem>> -> memref<1x128x64xf32, #tpu.memory_space<vmem>>
    %dma_wait3A_92 = tpu.memref_squeeze %dma_wait3A_91 : memref<1x128x64xf32, #tpu.memory_space<vmem>> -> memref<128x64xf32, #tpu.memory_space<vmem>>
    %dma_wait3A_93 = arith.constant 0 : i32
    %dma_wait3A_94 = tpu.memref_slice %arg5[%dma_wait3A_87, %dma_wait3A_93] : memref<4x128xi32, #tpu.memory_space<vmem>> -> memref<1x128xi32, #tpu.memory_space<vmem>>
    %dma_wait3A_95 = tpu.memref_squeeze %dma_wait3A_94 : memref<1x128xi32, #tpu.memory_space<vmem>> -> memref<128xi32, #tpu.memory_space<vmem>>
    %dma_wait3A_96 = arith.constant 0 : i32
    %dma_wait3A_97 = arith.constant 0 : i32
    %dma_wait3A_98 = tpu.memref_slice %arg2[%dma_wait3A_96, %dma_wait3A_97] : memref<8192x64xf32, #tpu.memory_space<hbm>> -> memref<8192x64xf32, #tpu.memory_space<hbm>>
    tpu.wait_indirect_dma semaphore(%arg7 : memref<!tpu.dma_semaphore, #tpu.memory_space<semaphore_mem>>) src(%dma_wait3A_98 : memref<8192x64xf32, #tpu.memory_space<hbm>>) dst(%dma_wait3A_92 : memref<128x64xf32, #tpu.memory_space<vmem>>)
    %add3A_99 = arith.constant 0 : i32
    %add3A_100 = arith.addi %mul3A_2, %add3A_99 : i32
    %run_scoped3A = arith.constant 0 : i32
    "tpu.region"() ({
      %run_scoped3A_110 = tpu.sem_alloc : memref<!tpu.dma_semaphore, #tpu.memory_space<semaphore_mem>>
      %dma_start3A_111 = arith.constant 0 : i32
      %dma_start3A_112 = arith.constant 0 : i32
      %dma_start3A_113 = tpu.memref_slice %arg6[%run_scoped3A, %dma_start3A_111, %dma_start3A_112] : memref<4x128x64xf32, #tpu.memory_space<vmem>> -> memref<1x128x64xf32, #tpu.memory_space<vmem>>
      %dma_start3A_114 = tpu.memref_squeeze %dma_start3A_113 : memref<1x128x64xf32, #tpu.memory_space<vmem>> -> memref<128x64xf32, #tpu.memory_space<vmem>>
      %dma_start3A_115 = arith.constant 0 : i32
      %dma_start3A_116 = tpu.memref_slice %arg4[%add3A_100, %dma_start3A_115] : memref<16384x64xf32, #tpu.memory_space<hbm>> -> memref<128x64xf32, #tpu.memory_space<hbm>>
      %dma_start3A_117 = arith.constant 0 : i32
      %dma_start3A_118 = tpu.memref_slice %arg4[%add3A_100, %dma_start3A_117] : memref<16384x64xf32, #tpu.memory_space<hbm>> -> memref<128x64xf32, #tpu.memory_space<hbm>>
      %dma_start3A_119 = arith.constant 0 : i32
      %dma_start3A_120 = arith.constant 0 : i32
      %dma_start3A_121 = tpu.memref_slice %arg6[%run_scoped3A, %dma_start3A_119, %dma_start3A_120] : memref<4x128x64xf32, #tpu.memory_space<vmem>> -> memref<1x128x64xf32, #tpu.memory_space<vmem>>
      %dma_start3A_122 = tpu.memref_squeeze %dma_start3A_121 : memref<1x128x64xf32, #tpu.memory_space<vmem>> -> memref<128x64xf32, #tpu.memory_space<vmem>>
      tpu.enqueue_dma source(%dma_start3A_122 : memref<128x64xf32, #tpu.memory_space<vmem>>) target(%dma_start3A_118 : memref<128x64xf32, #tpu.memory_space<hbm>>) target_semaphore(%run_scoped3A_110 : memref<!tpu.dma_semaphore, #tpu.memory_space<semaphore_mem>>)
      %dma_wait3A_123 = arith.constant 0 : i32
      %dma_wait3A_124 = arith.constant 0 : i32
      %dma_wait3A_125 = tpu.memref_slice %arg6[%run_scoped3A, %dma_wait3A_123, %dma_wait3A_124] : memref<4x128x64xf32, #tpu.memory_space<vmem>> -> memref<1x128x64xf32, #tpu.memory_space<vmem>>
      %dma_wait3A_126 = tpu.memref_squeeze %dma_wait3A_125 : memref<1x128x64xf32, #tpu.memory_space<vmem>> -> memref<128x64xf32, #tpu.memory_space<vmem>>
      %dma_wait3A_127 = arith.constant 0 : i32
      %dma_wait3A_128 = tpu.memref_slice %arg4[%add3A_100, %dma_wait3A_127] : memref<16384x64xf32, #tpu.memory_space<hbm>> -> memref<128x64xf32, #tpu.memory_space<hbm>>
      %dma_wait3A_129 = arith.constant 0 : i32
      %dma_wait3A_130 = tpu.memref_slice %arg4[%add3A_100, %dma_wait3A_129] : memref<16384x64xf32, #tpu.memory_space<hbm>> -> memref<128x64xf32, #tpu.memory_space<hbm>>
      %dma_wait3A_131 = arith.constant 0 : i32
      %dma_wait3A_132 = arith.constant 0 : i32
      %dma_wait3A_133 = tpu.memref_slice %arg6[%run_scoped3A, %dma_wait3A_131, %dma_wait3A_132] : memref<4x128x64xf32, #tpu.memory_space<vmem>> -> memref<1x128x64xf32, #tpu.memory_space<vmem>>
      %dma_wait3A_134 = tpu.memref_squeeze %dma_wait3A_133 : memref<1x128x64xf32, #tpu.memory_space<vmem>> -> memref<128x64xf32, #tpu.memory_space<vmem>>
      tpu.wait_dma2 semaphore(%run_scoped3A_110 : memref<!tpu.dma_semaphore, #tpu.memory_space<semaphore_mem>>) src(%dma_wait3A_134 : memref<128x64xf32, #tpu.memory_space<vmem>>) dst(%dma_wait3A_130 : memref<128x64xf32, #tpu.memory_space<hbm>>)
      tpu.yield
    }) : () -> ()
    %add3A_101 = arith.constant 128 : i32
    %add3A_102 = arith.addi %mul3A_2, %add3A_101 : i32
    %run_scoped3A_103 = arith.constant 1 : i32
    "tpu.region"() ({
      %run_scoped3A_110 = tpu.sem_alloc : memref<!tpu.dma_semaphore, #tpu.memory_space<semaphore_mem>>
      %dma_start3A_111 = arith.constant 0 : i32
      %dma_start3A_112 = arith.constant 0 : i32
      %dma_start3A_113 = tpu.memref_slice %arg6[%run_scoped3A_103, %dma_start3A_111, %dma_start3A_112] : memref<4x128x64xf32, #tpu.memory_space<vmem>> -> memref<1x128x64xf32, #tpu.memory_space<vmem>>
      %dma_start3A_114 = tpu.memref_squeeze %dma_start3A_113 : memref<1x128x64xf32, #tpu.memory_space<vmem>> -> memref<128x64xf32, #tpu.memory_space<vmem>>
      %dma_start3A_115 = arith.constant 0 : i32
      %dma_start3A_116 = tpu.memref_slice %arg4[%add3A_102, %dma_start3A_115] : memref<16384x64xf32, #tpu.memory_space<hbm>> -> memref<128x64xf32, #tpu.memory_space<hbm>>
      %dma_start3A_117 = arith.constant 0 : i32
      %dma_start3A_118 = tpu.memref_slice %arg4[%add3A_102, %dma_start3A_117] : memref<16384x64xf32, #tpu.memory_space<hbm>> -> memref<128x64xf32, #tpu.memory_space<hbm>>
      %dma_start3A_119 = arith.constant 0 : i32
      %dma_start3A_120 = arith.constant 0 : i32
      %dma_start3A_121 = tpu.memref_slice %arg6[%run_scoped3A_103, %dma_start3A_119, %dma_start3A_120] : memref<4x128x64xf32, #tpu.memory_space<vmem>> -> memref<1x128x64xf32, #tpu.memory_space<vmem>>
      %dma_start3A_122 = tpu.memref_squeeze %dma_start3A_121 : memref<1x128x64xf32, #tpu.memory_space<vmem>> -> memref<128x64xf32, #tpu.memory_space<vmem>>
      tpu.enqueue_dma source(%dma_start3A_122 : memref<128x64xf32, #tpu.memory_space<vmem>>) target(%dma_start3A_118 : memref<128x64xf32, #tpu.memory_space<hbm>>) target_semaphore(%run_scoped3A_110 : memref<!tpu.dma_semaphore, #tpu.memory_space<semaphore_mem>>)
      %dma_wait3A_123 = arith.constant 0 : i32
      %dma_wait3A_124 = arith.constant 0 : i32
      %dma_wait3A_125 = tpu.memref_slice %arg6[%run_scoped3A_103, %dma_wait3A_123, %dma_wait3A_124] : memref<4x128x64xf32, #tpu.memory_space<vmem>> -> memref<1x128x64xf32, #tpu.memory_space<vmem>>
      %dma_wait3A_126 = tpu.memref_squeeze %dma_wait3A_125 : memref<1x128x64xf32, #tpu.memory_space<vmem>> -> memref<128x64xf32, #tpu.memory_space<vmem>>
      %dma_wait3A_127 = arith.constant 0 : i32
      %dma_wait3A_128 = tpu.memref_slice %arg4[%add3A_102, %dma_wait3A_127] : memref<16384x64xf32, #tpu.memory_space<hbm>> -> memref<128x64xf32, #tpu.memory_space<hbm>>
      %dma_wait3A_129 = arith.constant 0 : i32
      %dma_wait3A_130 = tpu.memref_slice %arg4[%add3A_102, %dma_wait3A_129] : memref<16384x64xf32, #tpu.memory_space<hbm>> -> memref<128x64xf32, #tpu.memory_space<hbm>>
      %dma_wait3A_131 = arith.constant 0 : i32
      %dma_wait3A_132 = arith.constant 0 : i32
      %dma_wait3A_133 = tpu.memref_slice %arg6[%run_scoped3A_103, %dma_wait3A_131, %dma_wait3A_132] : memref<4x128x64xf32, #tpu.memory_space<vmem>> -> memref<1x128x64xf32, #tpu.memory_space<vmem>>
      %dma_wait3A_134 = tpu.memref_squeeze %dma_wait3A_133 : memref<1x128x64xf32, #tpu.memory_space<vmem>> -> memref<128x64xf32, #tpu.memory_space<vmem>>
      tpu.wait_dma2 semaphore(%run_scoped3A_110 : memref<!tpu.dma_semaphore, #tpu.memory_space<semaphore_mem>>) src(%dma_wait3A_134 : memref<128x64xf32, #tpu.memory_space<vmem>>) dst(%dma_wait3A_130 : memref<128x64xf32, #tpu.memory_space<hbm>>)
      tpu.yield
    }) : () -> ()
    %add3A_104 = arith.constant 256 : i32
    %add3A_105 = arith.addi %mul3A_2, %add3A_104 : i32
    %run_scoped3A_106 = arith.constant 2 : i32
    "tpu.region"() ({
      %run_scoped3A_110 = tpu.sem_alloc : memref<!tpu.dma_semaphore, #tpu.memory_space<semaphore_mem>>
      %dma_start3A_111 = arith.constant 0 : i32
      %dma_start3A_112 = arith.constant 0 : i32
      %dma_start3A_113 = tpu.memref_slice %arg6[%run_scoped3A_106, %dma_start3A_111, %dma_start3A_112] : memref<4x128x64xf32, #tpu.memory_space<vmem>> -> memref<1x128x64xf32, #tpu.memory_space<vmem>>
      %dma_start3A_114 = tpu.memref_squeeze %dma_start3A_113 : memref<1x128x64xf32, #tpu.memory_space<vmem>> -> memref<128x64xf32, #tpu.memory_space<vmem>>
      %dma_start3A_115 = arith.constant 0 : i32
      %dma_start3A_116 = tpu.memref_slice %arg4[%add3A_105, %dma_start3A_115] : memref<16384x64xf32, #tpu.memory_space<hbm>> -> memref<128x64xf32, #tpu.memory_space<hbm>>
      %dma_start3A_117 = arith.constant 0 : i32
      %dma_start3A_118 = tpu.memref_slice %arg4[%add3A_105, %dma_start3A_117] : memref<16384x64xf32, #tpu.memory_space<hbm>> -> memref<128x64xf32, #tpu.memory_space<hbm>>
      %dma_start3A_119 = arith.constant 0 : i32
      %dma_start3A_120 = arith.constant 0 : i32
      %dma_start3A_121 = tpu.memref_slice %arg6[%run_scoped3A_106, %dma_start3A_119, %dma_start3A_120] : memref<4x128x64xf32, #tpu.memory_space<vmem>> -> memref<1x128x64xf32, #tpu.memory_space<vmem>>
      %dma_start3A_122 = tpu.memref_squeeze %dma_start3A_121 : memref<1x128x64xf32, #tpu.memory_space<vmem>> -> memref<128x64xf32, #tpu.memory_space<vmem>>
      tpu.enqueue_dma source(%dma_start3A_122 : memref<128x64xf32, #tpu.memory_space<vmem>>) target(%dma_start3A_118 : memref<128x64xf32, #tpu.memory_space<hbm>>) target_semaphore(%run_scoped3A_110 : memref<!tpu.dma_semaphore, #tpu.memory_space<semaphore_mem>>)
      %dma_wait3A_123 = arith.constant 0 : i32
      %dma_wait3A_124 = arith.constant 0 : i32
      %dma_wait3A_125 = tpu.memref_slice %arg6[%run_scoped3A_106, %dma_wait3A_123, %dma_wait3A_124] : memref<4x128x64xf32, #tpu.memory_space<vmem>> -> memref<1x128x64xf32, #tpu.memory_space<vmem>>
      %dma_wait3A_126 = tpu.memref_squeeze %dma_wait3A_125 : memref<1x128x64xf32, #tpu.memory_space<vmem>> -> memref<128x64xf32, #tpu.memory_space<vmem>>
      %dma_wait3A_127 = arith.constant 0 : i32
      %dma_wait3A_128 = tpu.memref_slice %arg4[%add3A_105, %dma_wait3A_127] : memref<16384x64xf32, #tpu.memory_space<hbm>> -> memref<128x64xf32, #tpu.memory_space<hbm>>
      %dma_wait3A_129 = arith.constant 0 : i32
      %dma_wait3A_130 = tpu.memref_slice %arg4[%add3A_105, %dma_wait3A_129] : memref<16384x64xf32, #tpu.memory_space<hbm>> -> memref<128x64xf32, #tpu.memory_space<hbm>>
      %dma_wait3A_131 = arith.constant 0 : i32
      %dma_wait3A_132 = arith.constant 0 : i32
      %dma_wait3A_133 = tpu.memref_slice %arg6[%run_scoped3A_106, %dma_wait3A_131, %dma_wait3A_132] : memref<4x128x64xf32, #tpu.memory_space<vmem>> -> memref<1x128x64xf32, #tpu.memory_space<vmem>>
      %dma_wait3A_134 = tpu.memref_squeeze %dma_wait3A_133 : memref<1x128x64xf32, #tpu.memory_space<vmem>> -> memref<128x64xf32, #tpu.memory_space<vmem>>
      tpu.wait_dma2 semaphore(%run_scoped3A_110 : memref<!tpu.dma_semaphore, #tpu.memory_space<semaphore_mem>>) src(%dma_wait3A_134 : memref<128x64xf32, #tpu.memory_space<vmem>>) dst(%dma_wait3A_130 : memref<128x64xf32, #tpu.memory_space<hbm>>)
      tpu.yield
    }) : () -> ()
    %add3A_107 = arith.constant 384 : i32
    %add3A_108 = arith.addi %mul3A_2, %add3A_107 : i32
    %run_scoped3A_109 = arith.constant 3 : i32
    "tpu.region"() ({
      %run_scoped3A_110 = tpu.sem_alloc : memref<!tpu.dma_semaphore, #tpu.memory_space<semaphore_mem>>
      %dma_start3A_111 = arith.constant 0 : i32
      %dma_start3A_112 = arith.constant 0 : i32
      %dma_start3A_113 = tpu.memref_slice %arg6[%run_scoped3A_109, %dma_start3A_111, %dma_start3A_112] : memref<4x128x64xf32, #tpu.memory_space<vmem>> -> memref<1x128x64xf32, #tpu.memory_space<vmem>>
      %dma_start3A_114 = tpu.memref_squeeze %dma_start3A_113 : memref<1x128x64xf32, #tpu.memory_space<vmem>> -> memref<128x64xf32, #tpu.memory_space<vmem>>
      %dma_start3A_115 = arith.constant 0 : i32
      %dma_start3A_116 = tpu.memref_slice %arg4[%add3A_108, %dma_start3A_115] : memref<16384x64xf32, #tpu.memory_space<hbm>> -> memref<128x64xf32, #tpu.memory_space<hbm>>
      %dma_start3A_117 = arith.constant 0 : i32
      %dma_start3A_118 = tpu.memref_slice %arg4[%add3A_108, %dma_start3A_117] : memref<16384x64xf32, #tpu.memory_space<hbm>> -> memref<128x64xf32, #tpu.memory_space<hbm>>
      %dma_start3A_119 = arith.constant 0 : i32
      %dma_start3A_120 = arith.constant 0 : i32
      %dma_start3A_121 = tpu.memref_slice %arg6[%run_scoped3A_109, %dma_start3A_119, %dma_start3A_120] : memref<4x128x64xf32, #tpu.memory_space<vmem>> -> memref<1x128x64xf32, #tpu.memory_space<vmem>>
      %dma_start3A_122 = tpu.memref_squeeze %dma_start3A_121 : memref<1x128x64xf32, #tpu.memory_space<vmem>> -> memref<128x64xf32, #tpu.memory_space<vmem>>
      tpu.enqueue_dma source(%dma_start3A_122 : memref<128x64xf32, #tpu.memory_space<vmem>>) target(%dma_start3A_118 : memref<128x64xf32, #tpu.memory_space<hbm>>) target_semaphore(%run_scoped3A_110 : memref<!tpu.dma_semaphore, #tpu.memory_space<semaphore_mem>>)
      %dma_wait3A_123 = arith.constant 0 : i32
      %dma_wait3A_124 = arith.constant 0 : i32
      %dma_wait3A_125 = tpu.memref_slice %arg6[%run_scoped3A_109, %dma_wait3A_123, %dma_wait3A_124] : memref<4x128x64xf32, #tpu.memory_space<vmem>> -> memref<1x128x64xf32, #tpu.memory_space<vmem>>
      %dma_wait3A_126 = tpu.memref_squeeze %dma_wait3A_125 : memref<1x128x64xf32, #tpu.memory_space<vmem>> -> memref<128x64xf32, #tpu.memory_space<vmem>>
      %dma_wait3A_127 = arith.constant 0 : i32
      %dma_wait3A_128 = tpu.memref_slice %arg4[%add3A_108, %dma_wait3A_127] : memref<16384x64xf32, #tpu.memory_space<hbm>> -> memref<128x64xf32, #tpu.memory_space<hbm>>
      %dma_wait3A_129 = arith.constant 0 : i32
      %dma_wait3A_130 = tpu.memref_slice %arg4[%add3A_108, %dma_wait3A_129] : memref<16384x64xf32, #tpu.memory_space<hbm>> -> memref<128x64xf32, #tpu.memory_space<hbm>>
      %dma_wait3A_131 = arith.constant 0 : i32
      %dma_wait3A_132 = arith.constant 0 : i32
      %dma_wait3A_133 = tpu.memref_slice %arg6[%run_scoped3A_109, %dma_wait3A_131, %dma_wait3A_132] : memref<4x128x64xf32, #tpu.memory_space<vmem>> -> memref<1x128x64xf32, #tpu.memory_space<vmem>>
      %dma_wait3A_134 = tpu.memref_squeeze %dma_wait3A_133 : memref<1x128x64xf32, #tpu.memory_space<vmem>> -> memref<128x64xf32, #tpu.memory_space<vmem>>
      tpu.wait_dma2 semaphore(%run_scoped3A_110 : memref<!tpu.dma_semaphore, #tpu.memory_space<semaphore_mem>>) src(%dma_wait3A_134 : memref<128x64xf32, #tpu.memory_space<vmem>>) dst(%dma_wait3A_130 : memref<128x64xf32, #tpu.memory_space<hbm>>)
      tpu.yield
    }) : () -> ()
    return
  }
}

module attributes {stable_mosaic.version = 14 : i64} {
  func.func @_s1_body(%arg0: i32, %arg1: memref<1x64x1024xf32, #tpu.memory_space<vmem>>, %arg2: memref<64x8192xf32, #tpu.memory_space<vmem>>, %arg3: memref<8x128xi32, #tpu.memory_space<vmem>>, %arg4: memref<8192x64xf32, #tpu.memory_space<vmem>>) attributes {dimension_semantics = [#tpu.dimension_semantics<arbitrary>], iteration_bounds = array<i64: 16>, scalar_prefetch = 0 : i64, scratch_operands = 0 : i64, tpu.core_type = #tpu.core_type<tc>, window_params = [{transform_indices = @transform_0, window_bounds = array<i64: 1, 64, 1024>}, {pipeline_mode = #tpu.pipeline_mode<synchronous>, transform_indices = @transform_1, window_bounds = array<i64: 64, 8192>}, {transform_indices = @transform_2, window_bounds = array<i64: 8, 128>}, {pipeline_mode = #tpu.pipeline_mode<synchronous>, transform_indices = @transform_3, window_bounds = array<i64: 8192, 64>}]} {
    %get3A = arith.constant 0 : index
    %get3A_0 = arith.constant 0 : index
    %get3A_1 = arith.constant 0 : index
    %get3A_2 = vector.load %arg1[%get3A, %get3A_0, %get3A_1] : memref<1x64x1024xf32, #tpu.memory_space<vmem>>, vector<1x64x1024xf32>
    %get3A_3 = vector.shape_cast %get3A_2 : vector<1x64x1024xf32> to vector<64x1024xf32>
    %eq3A = arith.constant 0 : i32
    %eq3A_4 = arith.cmpi eq, %arg0, %eq3A : i32
    %convert_element_type3A = arith.extui %eq3A_4 : i1 to i32
    %cond3A = arith.constant 0 : i32
    %cond3A_5 = arith.cmpi ne, %convert_element_type3A, %cond3A : i32
    scf.if %cond3A_5 {
      %get3A_543 = arith.constant 0 : index
      %get3A_544 = arith.constant 0 : index
      %get3A_545 = vector.load %arg2[%get3A_543, %get3A_544] : memref<64x8192xf32, #tpu.memory_space<vmem>>, vector<64x8192xf32>
      %transpose3A_546 = tpu.transpose %get3A_545, [1, 0] : vector<64x8192xf32> -> vector<8192x64xf32>
      %swap3A_547 = arith.constant 0 : index
      %swap3A_548 = arith.constant 0 : index
      %swap3A_549 = vector.load %arg4[%swap3A_547, %swap3A_548] : memref<8192x64xf32, #tpu.memory_space<vmem>>, vector<8192x64xf32>
      tpu.vector_store %arg4[%swap3A_547, %swap3A_548], %transpose3A_546 {strides = array<i32>} : memref<8192x64xf32, #tpu.memory_space<vmem>>, vector<8192x64xf32>,
    } else {
    }
    %transpose3A = tpu.transpose %get3A_3, [1, 0] : vector<64x1024xf32> -> vector<1024x64xf32>
    %mul3A = arith.mulf %transpose3A, %transpose3A : vector<1024x64xf32>
    %reduce_sum3A = arith.constant dense<0.000000e+00> : vector<1024xf32>
    %reduce_sum3A_6 = vector.multi_reduction <add>, %mul3A, %reduce_sum3A [1] : vector<1024x64xf32> to vector<1024xf32>
    %broadcast_in_dim3A = vector.shape_cast %reduce_sum3A_6 : vector<1024xf32> to vector<1024x1xf32>
    %transpose3A_7 = tpu.transpose %broadcast_in_dim3A, [1, 0] : vector<1024x1xf32> -> vector<1x1024xf32>
    %iota3A = tpu.iota {dimensions = array<i32: 0>} : vector<512x1024xi32>
    %get3A_8 = arith.constant 0 : index
    %get3A_9 = arith.constant 0 : index
    %get3A_10 = vector.load %arg2[%get3A_8, %get3A_9] : memref<64x8192xf32, #tpu.memory_space<vmem>>, vector<64x512xf32>
    %dot_general3A = arith.constant dense<0.000000e+00> : vector<512x1024xf32>
    %dot_general3A_11 = tpu.matmul %get3A_10, %get3A_3, %dot_general3A {dimension_numbers = #tpu.dot_dimension_numbers<[0], [0], [1], [1], [0, 1, 1, 1], [], []>, transpose_lhs_hint = false} : vector<64x512xf32>, vector<64x1024xf32>, vector<512x1024xf32> -> vector<512x1024xf32>
    %mul3A_12 = arith.mulf %get3A_10, %get3A_10 : vector<64x512xf32>
    %reduce_sum3A_13 = arith.constant dense<0.000000e+00> : vector<512xf32>
    %reduce_sum3A_14 = vector.multi_reduction <add>, %mul3A_12, %reduce_sum3A_13 [0] : vector<64x512xf32> to vector<512xf32>
    %broadcast_in_dim3A_15 = vector.shape_cast %reduce_sum3A_14 : vector<512xf32> to vector<1x512xf32>
    %transpose3A_16 = tpu.transpose %broadcast_in_dim3A_15, [1, 0] : vector<1x512xf32> -> vector<512x1xf32>
    %mul3A_17 = arith.constant 2.000000e+00 : f32
    %mul3A_18 = vector.broadcast %mul3A_17 : f32 to vector<512x1024xf32>
    %mul3A_19 = arith.mulf %mul3A_18, %dot_general3A_11 : vector<512x1024xf32>
    %sub3A = vector.broadcast %transpose3A_7 : vector<1x1024xf32> to vector<512x1024xf32>
    %sub3A_20 = arith.subf %sub3A, %mul3A_19 : vector<512x1024xf32>
    %add3A = vector.broadcast %transpose3A_16 : vector<512x1xf32> to vector<512x1024xf32>
    %add3A_21 = arith.addf %sub3A_20, %add3A : vector<512x1024xf32>
    %reduce_min3A = arith.constant dense<0x7F800000> : vector<1024xf32>
    %reduce_min3A_22 = vector.multi_reduction <minimumf>, %add3A_21, %reduce_min3A [0] : vector<512x1024xf32> to vector<1024xf32>
    %broadcast_in_dim3A_23 = vector.shape_cast %reduce_min3A_22 : vector<1024xf32> to vector<1x1024xf32>
    %eq3A_24 = vector.broadcast %broadcast_in_dim3A_23 : vector<1x1024xf32> to vector<512x1024xf32>
    %eq3A_25 = arith.cmpf oeq, %add3A_21, %eq3A_24 : vector<512x1024xf32>
    %jit3A = arith.constant 1073741824 : i32
    %broadcast_in_dim3A_26 = vector.broadcast %jit3A : i32 to vector<512x1024xi32>
    %select_n3A = arith.select %eq3A_25, %iota3A, %broadcast_in_dim3A_26 : vector<512x1024xi1>, vector<512x1024xi32>
    %reduce_min3A_27 = arith.constant dense<2147483647> : vector<1024xi32>
    %reduce_min3A_28 = vector.multi_reduction <minsi>, %select_n3A, %reduce_min3A_27 [0] : vector<512x1024xi32> to vector<1024xi32>
    %broadcast_in_dim3A_29 = vector.shape_cast %reduce_min3A_28 : vector<1024xi32> to vector<1x1024xi32>
    %add3A_30 = arith.constant 0 : i32
    %add3A_31 = vector.broadcast %add3A_30 : i32 to vector<1x1024xi32>
    %add3A_32 = arith.addi %broadcast_in_dim3A_29, %add3A_31 : vector<1x1024xi32>
    %get3A_33 = arith.constant 0 : index
    %get3A_34 = arith.constant 512 : index
    %get3A_35 = vector.load %arg2[%get3A_33, %get3A_34] : memref<64x8192xf32, #tpu.memory_space<vmem>>, vector<64x512xf32>
    %dot_general3A_36 = arith.constant dense<0.000000e+00> : vector<512x1024xf32>
    %dot_general3A_37 = tpu.matmul %get3A_35, %get3A_3, %dot_general3A_36 {dimension_numbers = #tpu.dot_dimension_numbers<[0], [0], [1], [1], [0, 1, 1, 1], [], []>, transpose_lhs_hint = false} : vector<64x512xf32>, vector<64x1024xf32>, vector<512x1024xf32> -> vector<512x1024xf32>
    %mul3A_38 = arith.mulf %get3A_35, %get3A_35 : vector<64x512xf32>
    %reduce_sum3A_39 = arith.constant dense<0.000000e+00> : vector<512xf32>
    %reduce_sum3A_40 = vector.multi_reduction <add>, %mul3A_38, %reduce_sum3A_39 [0] : vector<64x512xf32> to vector<512xf32>
    %broadcast_in_dim3A_41 = vector.shape_cast %reduce_sum3A_40 : vector<512xf32> to vector<1x512xf32>
    %transpose3A_42 = tpu.transpose %broadcast_in_dim3A_41, [1, 0] : vector<1x512xf32> -> vector<512x1xf32>
    %mul3A_43 = arith.constant 2.000000e+00 : f32
    %mul3A_44 = vector.broadcast %mul3A_43 : f32 to vector<512x1024xf32>
    %mul3A_45 = arith.mulf %mul3A_44, %dot_general3A_37 : vector<512x1024xf32>
    %sub3A_46 = vector.broadcast %transpose3A_7 : vector<1x1024xf32> to vector<512x1024xf32>
    %sub3A_47 = arith.subf %sub3A_46, %mul3A_45 : vector<512x1024xf32>
    %add3A_48 = vector.broadcast %transpose3A_42 : vector<512x1xf32> to vector<512x1024xf32>
    %add3A_49 = arith.addf %sub3A_47, %add3A_48 : vector<512x1024xf32>
    %reduce_min3A_50 = arith.constant dense<0x7F800000> : vector<1024xf32>
    %reduce_min3A_51 = vector.multi_reduction <minimumf>, %add3A_49, %reduce_min3A_50 [0] : vector<512x1024xf32> to vector<1024xf32>
    %broadcast_in_dim3A_52 = vector.shape_cast %reduce_min3A_51 : vector<1024xf32> to vector<1x1024xf32>
    %eq3A_53 = vector.broadcast %broadcast_in_dim3A_52 : vector<1x1024xf32> to vector<512x1024xf32>
    %eq3A_54 = arith.cmpf oeq, %add3A_49, %eq3A_53 : vector<512x1024xf32>
    %jit3A_55 = arith.constant 1073741824 : i32
    %broadcast_in_dim3A_56 = vector.broadcast %jit3A_55 : i32 to vector<512x1024xi32>
    %select_n3A_57 = arith.select %eq3A_54, %iota3A, %broadcast_in_dim3A_56 : vector<512x1024xi1>, vector<512x1024xi32>
    %reduce_min3A_58 = arith.constant dense<2147483647> : vector<1024xi32>
    %reduce_min3A_59 = vector.multi_reduction <minsi>, %select_n3A_57, %reduce_min3A_58 [0] : vector<512x1024xi32> to vector<1024xi32>
    %broadcast_in_dim3A_60 = vector.shape_cast %reduce_min3A_59 : vector<1024xi32> to vector<1x1024xi32>
    %add3A_61 = arith.constant 512 : i32
    %add3A_62 = vector.broadcast %add3A_61 : i32 to vector<1x1024xi32>
    %add3A_63 = arith.addi %broadcast_in_dim3A_60, %add3A_62 : vector<1x1024xi32>
    %lt3A = arith.cmpf olt, %broadcast_in_dim3A_52, %broadcast_in_dim3A_23 : vector<1x1024xf32>
    %select_n3A_64 = arith.select %lt3A, %broadcast_in_dim3A_52, %broadcast_in_dim3A_23 : vector<1x1024xi1>, vector<1x1024xf32>
    %select_n3A_65 = arith.select %lt3A, %add3A_63, %add3A_32 : vector<1x1024xi1>, vector<1x1024xi32>
    %get3A_66 = arith.constant 0 : index
    %get3A_67 = arith.constant 1024 : index
    %get3A_68 = vector.load %arg2[%get3A_66, %get3A_67] : memref<64x8192xf32, #tpu.memory_space<vmem>>, vector<64x512xf32>
    %dot_general3A_69 = arith.constant dense<0.000000e+00> : vector<512x1024xf32>
    %dot_general3A_70 = tpu.matmul %get3A_68, %get3A_3, %dot_general3A_69 {dimension_numbers = #tpu.dot_dimension_numbers<[0], [0], [1], [1], [0, 1, 1, 1], [], []>, transpose_lhs_hint = false} : vector<64x512xf32>, vector<64x1024xf32>, vector<512x1024xf32> -> vector<512x1024xf32>
    %mul3A_71 = arith.mulf %get3A_68, %get3A_68 : vector<64x512xf32>
    %reduce_sum3A_72 = arith.constant dense<0.000000e+00> : vector<512xf32>
    %reduce_sum3A_73 = vector.multi_reduction <add>, %mul3A_71, %reduce_sum3A_72 [0] : vector<64x512xf32> to vector<512xf32>
    %broadcast_in_dim3A_74 = vector.shape_cast %reduce_sum3A_73 : vector<512xf32> to vector<1x512xf32>
    %transpose3A_75 = tpu.transpose %broadcast_in_dim3A_74, [1, 0] : vector<1x512xf32> -> vector<512x1xf32>
    %mul3A_76 = arith.constant 2.000000e+00 : f32
    %mul3A_77 = vector.broadcast %mul3A_76 : f32 to vector<512x1024xf32>
    %mul3A_78 = arith.mulf %mul3A_77, %dot_general3A_70 : vector<512x1024xf32>
    %sub3A_79 = vector.broadcast %transpose3A_7 : vector<1x1024xf32> to vector<512x1024xf32>
    %sub3A_80 = arith.subf %sub3A_79, %mul3A_78 : vector<512x1024xf32>
    %add3A_81 = vector.broadcast %transpose3A_75 : vector<512x1xf32> to vector<512x1024xf32>
    %add3A_82 = arith.addf %sub3A_80, %add3A_81 : vector<512x1024xf32>
    %reduce_min3A_83 = arith.constant dense<0x7F800000> : vector<1024xf32>
    %reduce_min3A_84 = vector.multi_reduction <minimumf>, %add3A_82, %reduce_min3A_83 [0] : vector<512x1024xf32> to vector<1024xf32>
    %broadcast_in_dim3A_85 = vector.shape_cast %reduce_min3A_84 : vector<1024xf32> to vector<1x1024xf32>
    %eq3A_86 = vector.broadcast %broadcast_in_dim3A_85 : vector<1x1024xf32> to vector<512x1024xf32>
    %eq3A_87 = arith.cmpf oeq, %add3A_82, %eq3A_86 : vector<512x1024xf32>
    %jit3A_88 = arith.constant 1073741824 : i32
    %broadcast_in_dim3A_89 = vector.broadcast %jit3A_88 : i32 to vector<512x1024xi32>
    %select_n3A_90 = arith.select %eq3A_87, %iota3A, %broadcast_in_dim3A_89 : vector<512x1024xi1>, vector<512x1024xi32>
    %reduce_min3A_91 = arith.constant dense<2147483647> : vector<1024xi32>
    %reduce_min3A_92 = vector.multi_reduction <minsi>, %select_n3A_90, %reduce_min3A_91 [0] : vector<512x1024xi32> to vector<1024xi32>
    %broadcast_in_dim3A_93 = vector.shape_cast %reduce_min3A_92 : vector<1024xi32> to vector<1x1024xi32>
    %add3A_94 = arith.constant 1024 : i32
    %add3A_95 = vector.broadcast %add3A_94 : i32 to vector<1x1024xi32>
    %add3A_96 = arith.addi %broadcast_in_dim3A_93, %add3A_95 : vector<1x1024xi32>
    %lt3A_97 = arith.cmpf olt, %broadcast_in_dim3A_85, %select_n3A_64 : vector<1x1024xf32>
    %select_n3A_98 = arith.select %lt3A_97, %broadcast_in_dim3A_85, %select_n3A_64 : vector<1x1024xi1>, vector<1x1024xf32>
    %select_n3A_99 = arith.select %lt3A_97, %add3A_96, %select_n3A_65 : vector<1x1024xi1>, vector<1x1024xi32>
    %get3A_100 = arith.constant 0 : index
    %get3A_101 = arith.constant 1536 : index
    %get3A_102 = vector.load %arg2[%get3A_100, %get3A_101] : memref<64x8192xf32, #tpu.memory_space<vmem>>, vector<64x512xf32>
    %dot_general3A_103 = arith.constant dense<0.000000e+00> : vector<512x1024xf32>
    %dot_general3A_104 = tpu.matmul %get3A_102, %get3A_3, %dot_general3A_103 {dimension_numbers = #tpu.dot_dimension_numbers<[0], [0], [1], [1], [0, 1, 1, 1], [], []>, transpose_lhs_hint = false} : vector<64x512xf32>, vector<64x1024xf32>, vector<512x1024xf32> -> vector<512x1024xf32>
    %mul3A_105 = arith.mulf %get3A_102, %get3A_102 : vector<64x512xf32>
    %reduce_sum3A_106 = arith.constant dense<0.000000e+00> : vector<512xf32>
    %reduce_sum3A_107 = vector.multi_reduction <add>, %mul3A_105, %reduce_sum3A_106 [0] : vector<64x512xf32> to vector<512xf32>
    %broadcast_in_dim3A_108 = vector.shape_cast %reduce_sum3A_107 : vector<512xf32> to vector<1x512xf32>
    %transpose3A_109 = tpu.transpose %broadcast_in_dim3A_108, [1, 0] : vector<1x512xf32> -> vector<512x1xf32>
    %mul3A_110 = arith.constant 2.000000e+00 : f32
    %mul3A_111 = vector.broadcast %mul3A_110 : f32 to vector<512x1024xf32>
    %mul3A_112 = arith.mulf %mul3A_111, %dot_general3A_104 : vector<512x1024xf32>
    %sub3A_113 = vector.broadcast %transpose3A_7 : vector<1x1024xf32> to vector<512x1024xf32>
    %sub3A_114 = arith.subf %sub3A_113, %mul3A_112 : vector<512x1024xf32>
    %add3A_115 = vector.broadcast %transpose3A_109 : vector<512x1xf32> to vector<512x1024xf32>
    %add3A_116 = arith.addf %sub3A_114, %add3A_115 : vector<512x1024xf32>
    %reduce_min3A_117 = arith.constant dense<0x7F800000> : vector<1024xf32>
    %reduce_min3A_118 = vector.multi_reduction <minimumf>, %add3A_116, %reduce_min3A_117 [0] : vector<512x1024xf32> to vector<1024xf32>
    %broadcast_in_dim3A_119 = vector.shape_cast %reduce_min3A_118 : vector<1024xf32> to vector<1x1024xf32>
    %eq3A_120 = vector.broadcast %broadcast_in_dim3A_119 : vector<1x1024xf32> to vector<512x1024xf32>
    %eq3A_121 = arith.cmpf oeq, %add3A_116, %eq3A_120 : vector<512x1024xf32>
    %jit3A_122 = arith.constant 1073741824 : i32
    %broadcast_in_dim3A_123 = vector.broadcast %jit3A_122 : i32 to vector<512x1024xi32>
    %select_n3A_124 = arith.select %eq3A_121, %iota3A, %broadcast_in_dim3A_123 : vector<512x1024xi1>, vector<512x1024xi32>
    %reduce_min3A_125 = arith.constant dense<2147483647> : vector<1024xi32>
    %reduce_min3A_126 = vector.multi_reduction <minsi>, %select_n3A_124, %reduce_min3A_125 [0] : vector<512x1024xi32> to vector<1024xi32>
    %broadcast_in_dim3A_127 = vector.shape_cast %reduce_min3A_126 : vector<1024xi32> to vector<1x1024xi32>
    %add3A_128 = arith.constant 1536 : i32
    %add3A_129 = vector.broadcast %add3A_128 : i32 to vector<1x1024xi32>
    %add3A_130 = arith.addi %broadcast_in_dim3A_127, %add3A_129 : vector<1x1024xi32>
    %lt3A_131 = arith.cmpf olt, %broadcast_in_dim3A_119, %select_n3A_98 : vector<1x1024xf32>
    %select_n3A_132 = arith.select %lt3A_131, %broadcast_in_dim3A_119, %select_n3A_98 : vector<1x1024xi1>, vector<1x1024xf32>
    %select_n3A_133 = arith.select %lt3A_131, %add3A_130, %select_n3A_99 : vector<1x1024xi1>, vector<1x1024xi32>
    %get3A_134 = arith.constant 0 : index
    %get3A_135 = arith.constant 2048 : index
    %get3A_136 = vector.load %arg2[%get3A_134, %get3A_135] : memref<64x8192xf32, #tpu.memory_space<vmem>>, vector<64x512xf32>
    %dot_general3A_137 = arith.constant dense<0.000000e+00> : vector<512x1024xf32>
    %dot_general3A_138 = tpu.matmul %get3A_136, %get3A_3, %dot_general3A_137 {dimension_numbers = #tpu.dot_dimension_numbers<[0], [0], [1], [1], [0, 1, 1, 1], [], []>, transpose_lhs_hint = false} : vector<64x512xf32>, vector<64x1024xf32>, vector<512x1024xf32> -> vector<512x1024xf32>
    %mul3A_139 = arith.mulf %get3A_136, %get3A_136 : vector<64x512xf32>
    %reduce_sum3A_140 = arith.constant dense<0.000000e+00> : vector<512xf32>
    %reduce_sum3A_141 = vector.multi_reduction <add>, %mul3A_139, %reduce_sum3A_140 [0] : vector<64x512xf32> to vector<512xf32>
    %broadcast_in_dim3A_142 = vector.shape_cast %reduce_sum3A_141 : vector<512xf32> to vector<1x512xf32>
    %transpose3A_143 = tpu.transpose %broadcast_in_dim3A_142, [1, 0] : vector<1x512xf32> -> vector<512x1xf32>
    %mul3A_144 = arith.constant 2.000000e+00 : f32
    %mul3A_145 = vector.broadcast %mul3A_144 : f32 to vector<512x1024xf32>
    %mul3A_146 = arith.mulf %mul3A_145, %dot_general3A_138 : vector<512x1024xf32>
    %sub3A_147 = vector.broadcast %transpose3A_7 : vector<1x1024xf32> to vector<512x1024xf32>
    %sub3A_148 = arith.subf %sub3A_147, %mul3A_146 : vector<512x1024xf32>
    %add3A_149 = vector.broadcast %transpose3A_143 : vector<512x1xf32> to vector<512x1024xf32>
    %add3A_150 = arith.addf %sub3A_148, %add3A_149 : vector<512x1024xf32>
    %reduce_min3A_151 = arith.constant dense<0x7F800000> : vector<1024xf32>
    %reduce_min3A_152 = vector.multi_reduction <minimumf>, %add3A_150, %reduce_min3A_151 [0] : vector<512x1024xf32> to vector<1024xf32>
    %broadcast_in_dim3A_153 = vector.shape_cast %reduce_min3A_152 : vector<1024xf32> to vector<1x1024xf32>
    %eq3A_154 = vector.broadcast %broadcast_in_dim3A_153 : vector<1x1024xf32> to vector<512x1024xf32>
    %eq3A_155 = arith.cmpf oeq, %add3A_150, %eq3A_154 : vector<512x1024xf32>
    %jit3A_156 = arith.constant 1073741824 : i32
    %broadcast_in_dim3A_157 = vector.broadcast %jit3A_156 : i32 to vector<512x1024xi32>
    %select_n3A_158 = arith.select %eq3A_155, %iota3A, %broadcast_in_dim3A_157 : vector<512x1024xi1>, vector<512x1024xi32>
    %reduce_min3A_159 = arith.constant dense<2147483647> : vector<1024xi32>
    %reduce_min3A_160 = vector.multi_reduction <minsi>, %select_n3A_158, %reduce_min3A_159 [0] : vector<512x1024xi32> to vector<1024xi32>
    %broadcast_in_dim3A_161 = vector.shape_cast %reduce_min3A_160 : vector<1024xi32> to vector<1x1024xi32>
    %add3A_162 = arith.constant 2048 : i32
    %add3A_163 = vector.broadcast %add3A_162 : i32 to vector<1x1024xi32>
    %add3A_164 = arith.addi %broadcast_in_dim3A_161, %add3A_163 : vector<1x1024xi32>
    %lt3A_165 = arith.cmpf olt, %broadcast_in_dim3A_153, %select_n3A_132 : vector<1x1024xf32>
    %select_n3A_166 = arith.select %lt3A_165, %broadcast_in_dim3A_153, %select_n3A_132 : vector<1x1024xi1>, vector<1x1024xf32>
    %select_n3A_167 = arith.select %lt3A_165, %add3A_164, %select_n3A_133 : vector<1x1024xi1>, vector<1x1024xi32>
    %get3A_168 = arith.constant 0 : index
    %get3A_169 = arith.constant 2560 : index
    %get3A_170 = vector.load %arg2[%get3A_168, %get3A_169] : memref<64x8192xf32, #tpu.memory_space<vmem>>, vector<64x512xf32>
    %dot_general3A_171 = arith.constant dense<0.000000e+00> : vector<512x1024xf32>
    %dot_general3A_172 = tpu.matmul %get3A_170, %get3A_3, %dot_general3A_171 {dimension_numbers = #tpu.dot_dimension_numbers<[0], [0], [1], [1], [0, 1, 1, 1], [], []>, transpose_lhs_hint = false} : vector<64x512xf32>, vector<64x1024xf32>, vector<512x1024xf32> -> vector<512x1024xf32>
    %mul3A_173 = arith.mulf %get3A_170, %get3A_170 : vector<64x512xf32>
    %reduce_sum3A_174 = arith.constant dense<0.000000e+00> : vector<512xf32>
    %reduce_sum3A_175 = vector.multi_reduction <add>, %mul3A_173, %reduce_sum3A_174 [0] : vector<64x512xf32> to vector<512xf32>
    %broadcast_in_dim3A_176 = vector.shape_cast %reduce_sum3A_175 : vector<512xf32> to vector<1x512xf32>
    %transpose3A_177 = tpu.transpose %broadcast_in_dim3A_176, [1, 0] : vector<1x512xf32> -> vector<512x1xf32>
    %mul3A_178 = arith.constant 2.000000e+00 : f32
    %mul3A_179 = vector.broadcast %mul3A_178 : f32 to vector<512x1024xf32>
    %mul3A_180 = arith.mulf %mul3A_179, %dot_general3A_172 : vector<512x1024xf32>
    %sub3A_181 = vector.broadcast %transpose3A_7 : vector<1x1024xf32> to vector<512x1024xf32>
    %sub3A_182 = arith.subf %sub3A_181, %mul3A_180 : vector<512x1024xf32>
    %add3A_183 = vector.broadcast %transpose3A_177 : vector<512x1xf32> to vector<512x1024xf32>
    %add3A_184 = arith.addf %sub3A_182, %add3A_183 : vector<512x1024xf32>
    %reduce_min3A_185 = arith.constant dense<0x7F800000> : vector<1024xf32>
    %reduce_min3A_186 = vector.multi_reduction <minimumf>, %add3A_184, %reduce_min3A_185 [0] : vector<512x1024xf32> to vector<1024xf32>
    %broadcast_in_dim3A_187 = vector.shape_cast %reduce_min3A_186 : vector<1024xf32> to vector<1x1024xf32>
    %eq3A_188 = vector.broadcast %broadcast_in_dim3A_187 : vector<1x1024xf32> to vector<512x1024xf32>
    %eq3A_189 = arith.cmpf oeq, %add3A_184, %eq3A_188 : vector<512x1024xf32>
    %jit3A_190 = arith.constant 1073741824 : i32
    %broadcast_in_dim3A_191 = vector.broadcast %jit3A_190 : i32 to vector<512x1024xi32>
    %select_n3A_192 = arith.select %eq3A_189, %iota3A, %broadcast_in_dim3A_191 : vector<512x1024xi1>, vector<512x1024xi32>
    %reduce_min3A_193 = arith.constant dense<2147483647> : vector<1024xi32>
    %reduce_min3A_194 = vector.multi_reduction <minsi>, %select_n3A_192, %reduce_min3A_193 [0] : vector<512x1024xi32> to vector<1024xi32>
    %broadcast_in_dim3A_195 = vector.shape_cast %reduce_min3A_194 : vector<1024xi32> to vector<1x1024xi32>
    %add3A_196 = arith.constant 2560 : i32
    %add3A_197 = vector.broadcast %add3A_196 : i32 to vector<1x1024xi32>
    %add3A_198 = arith.addi %broadcast_in_dim3A_195, %add3A_197 : vector<1x1024xi32>
    %lt3A_199 = arith.cmpf olt, %broadcast_in_dim3A_187, %select_n3A_166 : vector<1x1024xf32>
    %select_n3A_200 = arith.select %lt3A_199, %broadcast_in_dim3A_187, %select_n3A_166 : vector<1x1024xi1>, vector<1x1024xf32>
    %select_n3A_201 = arith.select %lt3A_199, %add3A_198, %select_n3A_167 : vector<1x1024xi1>, vector<1x1024xi32>
    %get3A_202 = arith.constant 0 : index
    %get3A_203 = arith.constant 3072 : index
    %get3A_204 = vector.load %arg2[%get3A_202, %get3A_203] : memref<64x8192xf32, #tpu.memory_space<vmem>>, vector<64x512xf32>
    %dot_general3A_205 = arith.constant dense<0.000000e+00> : vector<512x1024xf32>
    %dot_general3A_206 = tpu.matmul %get3A_204, %get3A_3, %dot_general3A_205 {dimension_numbers = #tpu.dot_dimension_numbers<[0], [0], [1], [1], [0, 1, 1, 1], [], []>, transpose_lhs_hint = false} : vector<64x512xf32>, vector<64x1024xf32>, vector<512x1024xf32> -> vector<512x1024xf32>
    %mul3A_207 = arith.mulf %get3A_204, %get3A_204 : vector<64x512xf32>
    %reduce_sum3A_208 = arith.constant dense<0.000000e+00> : vector<512xf32>
    %reduce_sum3A_209 = vector.multi_reduction <add>, %mul3A_207, %reduce_sum3A_208 [0] : vector<64x512xf32> to vector<512xf32>
    %broadcast_in_dim3A_210 = vector.shape_cast %reduce_sum3A_209 : vector<512xf32> to vector<1x512xf32>
    %transpose3A_211 = tpu.transpose %broadcast_in_dim3A_210, [1, 0] : vector<1x512xf32> -> vector<512x1xf32>
    %mul3A_212 = arith.constant 2.000000e+00 : f32
    %mul3A_213 = vector.broadcast %mul3A_212 : f32 to vector<512x1024xf32>
    %mul3A_214 = arith.mulf %mul3A_213, %dot_general3A_206 : vector<512x1024xf32>
    %sub3A_215 = vector.broadcast %transpose3A_7 : vector<1x1024xf32> to vector<512x1024xf32>
    %sub3A_216 = arith.subf %sub3A_215, %mul3A_214 : vector<512x1024xf32>
    %add3A_217 = vector.broadcast %transpose3A_211 : vector<512x1xf32> to vector<512x1024xf32>
    %add3A_218 = arith.addf %sub3A_216, %add3A_217 : vector<512x1024xf32>
    %reduce_min3A_219 = arith.constant dense<0x7F800000> : vector<1024xf32>
    %reduce_min3A_220 = vector.multi_reduction <minimumf>, %add3A_218, %reduce_min3A_219 [0] : vector<512x1024xf32> to vector<1024xf32>
    %broadcast_in_dim3A_221 = vector.shape_cast %reduce_min3A_220 : vector<1024xf32> to vector<1x1024xf32>
    %eq3A_222 = vector.broadcast %broadcast_in_dim3A_221 : vector<1x1024xf32> to vector<512x1024xf32>
    %eq3A_223 = arith.cmpf oeq, %add3A_218, %eq3A_222 : vector<512x1024xf32>
    %jit3A_224 = arith.constant 1073741824 : i32
    %broadcast_in_dim3A_225 = vector.broadcast %jit3A_224 : i32 to vector<512x1024xi32>
    %select_n3A_226 = arith.select %eq3A_223, %iota3A, %broadcast_in_dim3A_225 : vector<512x1024xi1>, vector<512x1024xi32>
    %reduce_min3A_227 = arith.constant dense<2147483647> : vector<1024xi32>
    %reduce_min3A_228 = vector.multi_reduction <minsi>, %select_n3A_226, %reduce_min3A_227 [0] : vector<512x1024xi32> to vector<1024xi32>
    %broadcast_in_dim3A_229 = vector.shape_cast %reduce_min3A_228 : vector<1024xi32> to vector<1x1024xi32>
    %add3A_230 = arith.constant 3072 : i32
    %add3A_231 = vector.broadcast %add3A_230 : i32 to vector<1x1024xi32>
    %add3A_232 = arith.addi %broadcast_in_dim3A_229, %add3A_231 : vector<1x1024xi32>
    %lt3A_233 = arith.cmpf olt, %broadcast_in_dim3A_221, %select_n3A_200 : vector<1x1024xf32>
    %select_n3A_234 = arith.select %lt3A_233, %broadcast_in_dim3A_221, %select_n3A_200 : vector<1x1024xi1>, vector<1x1024xf32>
    %select_n3A_235 = arith.select %lt3A_233, %add3A_232, %select_n3A_201 : vector<1x1024xi1>, vector<1x1024xi32>
    %get3A_236 = arith.constant 0 : index
    %get3A_237 = arith.constant 3584 : index
    %get3A_238 = vector.load %arg2[%get3A_236, %get3A_237] : memref<64x8192xf32, #tpu.memory_space<vmem>>, vector<64x512xf32>
    %dot_general3A_239 = arith.constant dense<0.000000e+00> : vector<512x1024xf32>
    %dot_general3A_240 = tpu.matmul %get3A_238, %get3A_3, %dot_general3A_239 {dimension_numbers = #tpu.dot_dimension_numbers<[0], [0], [1], [1], [0, 1, 1, 1], [], []>, transpose_lhs_hint = false} : vector<64x512xf32>, vector<64x1024xf32>, vector<512x1024xf32> -> vector<512x1024xf32>
    %mul3A_241 = arith.mulf %get3A_238, %get3A_238 : vector<64x512xf32>
    %reduce_sum3A_242 = arith.constant dense<0.000000e+00> : vector<512xf32>
    %reduce_sum3A_243 = vector.multi_reduction <add>, %mul3A_241, %reduce_sum3A_242 [0] : vector<64x512xf32> to vector<512xf32>
    %broadcast_in_dim3A_244 = vector.shape_cast %reduce_sum3A_243 : vector<512xf32> to vector<1x512xf32>
    %transpose3A_245 = tpu.transpose %broadcast_in_dim3A_244, [1, 0] : vector<1x512xf32> -> vector<512x1xf32>
    %mul3A_246 = arith.constant 2.000000e+00 : f32
    %mul3A_247 = vector.broadcast %mul3A_246 : f32 to vector<512x1024xf32>
    %mul3A_248 = arith.mulf %mul3A_247, %dot_general3A_240 : vector<512x1024xf32>
    %sub3A_249 = vector.broadcast %transpose3A_7 : vector<1x1024xf32> to vector<512x1024xf32>
    %sub3A_250 = arith.subf %sub3A_249, %mul3A_248 : vector<512x1024xf32>
    %add3A_251 = vector.broadcast %transpose3A_245 : vector<512x1xf32> to vector<512x1024xf32>
    %add3A_252 = arith.addf %sub3A_250, %add3A_251 : vector<512x1024xf32>
    %reduce_min3A_253 = arith.constant dense<0x7F800000> : vector<1024xf32>
    %reduce_min3A_254 = vector.multi_reduction <minimumf>, %add3A_252, %reduce_min3A_253 [0] : vector<512x1024xf32> to vector<1024xf32>
    %broadcast_in_dim3A_255 = vector.shape_cast %reduce_min3A_254 : vector<1024xf32> to vector<1x1024xf32>
    %eq3A_256 = vector.broadcast %broadcast_in_dim3A_255 : vector<1x1024xf32> to vector<512x1024xf32>
    %eq3A_257 = arith.cmpf oeq, %add3A_252, %eq3A_256 : vector<512x1024xf32>
    %jit3A_258 = arith.constant 1073741824 : i32
    %broadcast_in_dim3A_259 = vector.broadcast %jit3A_258 : i32 to vector<512x1024xi32>
    %select_n3A_260 = arith.select %eq3A_257, %iota3A, %broadcast_in_dim3A_259 : vector<512x1024xi1>, vector<512x1024xi32>
    %reduce_min3A_261 = arith.constant dense<2147483647> : vector<1024xi32>
    %reduce_min3A_262 = vector.multi_reduction <minsi>, %select_n3A_260, %reduce_min3A_261 [0] : vector<512x1024xi32> to vector<1024xi32>
    %broadcast_in_dim3A_263 = vector.shape_cast %reduce_min3A_262 : vector<1024xi32> to vector<1x1024xi32>
    %add3A_264 = arith.constant 3584 : i32
    %add3A_265 = vector.broadcast %add3A_264 : i32 to vector<1x1024xi32>
    %add3A_266 = arith.addi %broadcast_in_dim3A_263, %add3A_265 : vector<1x1024xi32>
    %lt3A_267 = arith.cmpf olt, %broadcast_in_dim3A_255, %select_n3A_234 : vector<1x1024xf32>
    %select_n3A_268 = arith.select %lt3A_267, %broadcast_in_dim3A_255, %select_n3A_234 : vector<1x1024xi1>, vector<1x1024xf32>
    %select_n3A_269 = arith.select %lt3A_267, %add3A_266, %select_n3A_235 : vector<1x1024xi1>, vector<1x1024xi32>
    %get3A_270 = arith.constant 0 : index
    %get3A_271 = arith.constant 4096 : index
    %get3A_272 = vector.load %arg2[%get3A_270, %get3A_271] : memref<64x8192xf32, #tpu.memory_space<vmem>>, vector<64x512xf32>
    %dot_general3A_273 = arith.constant dense<0.000000e+00> : vector<512x1024xf32>
    %dot_general3A_274 = tpu.matmul %get3A_272, %get3A_3, %dot_general3A_273 {dimension_numbers = #tpu.dot_dimension_numbers<[0], [0], [1], [1], [0, 1, 1, 1], [], []>, transpose_lhs_hint = false} : vector<64x512xf32>, vector<64x1024xf32>, vector<512x1024xf32> -> vector<512x1024xf32>
    %mul3A_275 = arith.mulf %get3A_272, %get3A_272 : vector<64x512xf32>
    %reduce_sum3A_276 = arith.constant dense<0.000000e+00> : vector<512xf32>
    %reduce_sum3A_277 = vector.multi_reduction <add>, %mul3A_275, %reduce_sum3A_276 [0] : vector<64x512xf32> to vector<512xf32>
    %broadcast_in_dim3A_278 = vector.shape_cast %reduce_sum3A_277 : vector<512xf32> to vector<1x512xf32>
    %transpose3A_279 = tpu.transpose %broadcast_in_dim3A_278, [1, 0] : vector<1x512xf32> -> vector<512x1xf32>
    %mul3A_280 = arith.constant 2.000000e+00 : f32
    %mul3A_281 = vector.broadcast %mul3A_280 : f32 to vector<512x1024xf32>
    %mul3A_282 = arith.mulf %mul3A_281, %dot_general3A_274 : vector<512x1024xf32>
    %sub3A_283 = vector.broadcast %transpose3A_7 : vector<1x1024xf32> to vector<512x1024xf32>
    %sub3A_284 = arith.subf %sub3A_283, %mul3A_282 : vector<512x1024xf32>
    %add3A_285 = vector.broadcast %transpose3A_279 : vector<512x1xf32> to vector<512x1024xf32>
    %add3A_286 = arith.addf %sub3A_284, %add3A_285 : vector<512x1024xf32>
    %reduce_min3A_287 = arith.constant dense<0x7F800000> : vector<1024xf32>
    %reduce_min3A_288 = vector.multi_reduction <minimumf>, %add3A_286, %reduce_min3A_287 [0] : vector<512x1024xf32> to vector<1024xf32>
    %broadcast_in_dim3A_289 = vector.shape_cast %reduce_min3A_288 : vector<1024xf32> to vector<1x1024xf32>
    %eq3A_290 = vector.broadcast %broadcast_in_dim3A_289 : vector<1x1024xf32> to vector<512x1024xf32>
    %eq3A_291 = arith.cmpf oeq, %add3A_286, %eq3A_290 : vector<512x1024xf32>
    %jit3A_292 = arith.constant 1073741824 : i32
    %broadcast_in_dim3A_293 = vector.broadcast %jit3A_292 : i32 to vector<512x1024xi32>
    %select_n3A_294 = arith.select %eq3A_291, %iota3A, %broadcast_in_dim3A_293 : vector<512x1024xi1>, vector<512x1024xi32>
    %reduce_min3A_295 = arith.constant dense<2147483647> : vector<1024xi32>
    %reduce_min3A_296 = vector.multi_reduction <minsi>, %select_n3A_294, %reduce_min3A_295 [0] : vector<512x1024xi32> to vector<1024xi32>
    %broadcast_in_dim3A_297 = vector.shape_cast %reduce_min3A_296 : vector<1024xi32> to vector<1x1024xi32>
    %add3A_298 = arith.constant 4096 : i32
    %add3A_299 = vector.broadcast %add3A_298 : i32 to vector<1x1024xi32>
    %add3A_300 = arith.addi %broadcast_in_dim3A_297, %add3A_299 : vector<1x1024xi32>
    %lt3A_301 = arith.cmpf olt, %broadcast_in_dim3A_289, %select_n3A_268 : vector<1x1024xf32>
    %select_n3A_302 = arith.select %lt3A_301, %broadcast_in_dim3A_289, %select_n3A_268 : vector<1x1024xi1>, vector<1x1024xf32>
    %select_n3A_303 = arith.select %lt3A_301, %add3A_300, %select_n3A_269 : vector<1x1024xi1>, vector<1x1024xi32>
    %get3A_304 = arith.constant 0 : index
    %get3A_305 = arith.constant 4608 : index
    %get3A_306 = vector.load %arg2[%get3A_304, %get3A_305] : memref<64x8192xf32, #tpu.memory_space<vmem>>, vector<64x512xf32>
    %dot_general3A_307 = arith.constant dense<0.000000e+00> : vector<512x1024xf32>
    %dot_general3A_308 = tpu.matmul %get3A_306, %get3A_3, %dot_general3A_307 {dimension_numbers = #tpu.dot_dimension_numbers<[0], [0], [1], [1], [0, 1, 1, 1], [], []>, transpose_lhs_hint = false} : vector<64x512xf32>, vector<64x1024xf32>, vector<512x1024xf32> -> vector<512x1024xf32>
    %mul3A_309 = arith.mulf %get3A_306, %get3A_306 : vector<64x512xf32>
    %reduce_sum3A_310 = arith.constant dense<0.000000e+00> : vector<512xf32>
    %reduce_sum3A_311 = vector.multi_reduction <add>, %mul3A_309, %reduce_sum3A_310 [0] : vector<64x512xf32> to vector<512xf32>
    %broadcast_in_dim3A_312 = vector.shape_cast %reduce_sum3A_311 : vector<512xf32> to vector<1x512xf32>
    %transpose3A_313 = tpu.transpose %broadcast_in_dim3A_312, [1, 0] : vector<1x512xf32> -> vector<512x1xf32>
    %mul3A_314 = arith.constant 2.000000e+00 : f32
    %mul3A_315 = vector.broadcast %mul3A_314 : f32 to vector<512x1024xf32>
    %mul3A_316 = arith.mulf %mul3A_315, %dot_general3A_308 : vector<512x1024xf32>
    %sub3A_317 = vector.broadcast %transpose3A_7 : vector<1x1024xf32> to vector<512x1024xf32>
    %sub3A_318 = arith.subf %sub3A_317, %mul3A_316 : vector<512x1024xf32>
    %add3A_319 = vector.broadcast %transpose3A_313 : vector<512x1xf32> to vector<512x1024xf32>
    %add3A_320 = arith.addf %sub3A_318, %add3A_319 : vector<512x1024xf32>
    %reduce_min3A_321 = arith.constant dense<0x7F800000> : vector<1024xf32>
    %reduce_min3A_322 = vector.multi_reduction <minimumf>, %add3A_320, %reduce_min3A_321 [0] : vector<512x1024xf32> to vector<1024xf32>
    %broadcast_in_dim3A_323 = vector.shape_cast %reduce_min3A_322 : vector<1024xf32> to vector<1x1024xf32>
    %eq3A_324 = vector.broadcast %broadcast_in_dim3A_323 : vector<1x1024xf32> to vector<512x1024xf32>
    %eq3A_325 = arith.cmpf oeq, %add3A_320, %eq3A_324 : vector<512x1024xf32>
    %jit3A_326 = arith.constant 1073741824 : i32
    %broadcast_in_dim3A_327 = vector.broadcast %jit3A_326 : i32 to vector<512x1024xi32>
    %select_n3A_328 = arith.select %eq3A_325, %iota3A, %broadcast_in_dim3A_327 : vector<512x1024xi1>, vector<512x1024xi32>
    %reduce_min3A_329 = arith.constant dense<2147483647> : vector<1024xi32>
    %reduce_min3A_330 = vector.multi_reduction <minsi>, %select_n3A_328, %reduce_min3A_329 [0] : vector<512x1024xi32> to vector<1024xi32>
    %broadcast_in_dim3A_331 = vector.shape_cast %reduce_min3A_330 : vector<1024xi32> to vector<1x1024xi32>
    %add3A_332 = arith.constant 4608 : i32
    %add3A_333 = vector.broadcast %add3A_332 : i32 to vector<1x1024xi32>
    %add3A_334 = arith.addi %broadcast_in_dim3A_331, %add3A_333 : vector<1x1024xi32>
    %lt3A_335 = arith.cmpf olt, %broadcast_in_dim3A_323, %select_n3A_302 : vector<1x1024xf32>
    %select_n3A_336 = arith.select %lt3A_335, %broadcast_in_dim3A_323, %select_n3A_302 : vector<1x1024xi1>, vector<1x1024xf32>
    %select_n3A_337 = arith.select %lt3A_335, %add3A_334, %select_n3A_303 : vector<1x1024xi1>, vector<1x1024xi32>
    %get3A_338 = arith.constant 0 : index
    %get3A_339 = arith.constant 5120 : index
    %get3A_340 = vector.load %arg2[%get3A_338, %get3A_339] : memref<64x8192xf32, #tpu.memory_space<vmem>>, vector<64x512xf32>
    %dot_general3A_341 = arith.constant dense<0.000000e+00> : vector<512x1024xf32>
    %dot_general3A_342 = tpu.matmul %get3A_340, %get3A_3, %dot_general3A_341 {dimension_numbers = #tpu.dot_dimension_numbers<[0], [0], [1], [1], [0, 1, 1, 1], [], []>, transpose_lhs_hint = false} : vector<64x512xf32>, vector<64x1024xf32>, vector<512x1024xf32> -> vector<512x1024xf32>
    %mul3A_343 = arith.mulf %get3A_340, %get3A_340 : vector<64x512xf32>
    %reduce_sum3A_344 = arith.constant dense<0.000000e+00> : vector<512xf32>
    %reduce_sum3A_345 = vector.multi_reduction <add>, %mul3A_343, %reduce_sum3A_344 [0] : vector<64x512xf32> to vector<512xf32>
    %broadcast_in_dim3A_346 = vector.shape_cast %reduce_sum3A_345 : vector<512xf32> to vector<1x512xf32>
    %transpose3A_347 = tpu.transpose %broadcast_in_dim3A_346, [1, 0] : vector<1x512xf32> -> vector<512x1xf32>
    %mul3A_348 = arith.constant 2.000000e+00 : f32
    %mul3A_349 = vector.broadcast %mul3A_348 : f32 to vector<512x1024xf32>
    %mul3A_350 = arith.mulf %mul3A_349, %dot_general3A_342 : vector<512x1024xf32>
    %sub3A_351 = vector.broadcast %transpose3A_7 : vector<1x1024xf32> to vector<512x1024xf32>
    %sub3A_352 = arith.subf %sub3A_351, %mul3A_350 : vector<512x1024xf32>
    %add3A_353 = vector.broadcast %transpose3A_347 : vector<512x1xf32> to vector<512x1024xf32>
    %add3A_354 = arith.addf %sub3A_352, %add3A_353 : vector<512x1024xf32>
    %reduce_min3A_355 = arith.constant dense<0x7F800000> : vector<1024xf32>
    %reduce_min3A_356 = vector.multi_reduction <minimumf>, %add3A_354, %reduce_min3A_355 [0] : vector<512x1024xf32> to vector<1024xf32>
    %broadcast_in_dim3A_357 = vector.shape_cast %reduce_min3A_356 : vector<1024xf32> to vector<1x1024xf32>
    %eq3A_358 = vector.broadcast %broadcast_in_dim3A_357 : vector<1x1024xf32> to vector<512x1024xf32>
    %eq3A_359 = arith.cmpf oeq, %add3A_354, %eq3A_358 : vector<512x1024xf32>
    %jit3A_360 = arith.constant 1073741824 : i32
    %broadcast_in_dim3A_361 = vector.broadcast %jit3A_360 : i32 to vector<512x1024xi32>
    %select_n3A_362 = arith.select %eq3A_359, %iota3A, %broadcast_in_dim3A_361 : vector<512x1024xi1>, vector<512x1024xi32>
    %reduce_min3A_363 = arith.constant dense<2147483647> : vector<1024xi32>
    %reduce_min3A_364 = vector.multi_reduction <minsi>, %select_n3A_362, %reduce_min3A_363 [0] : vector<512x1024xi32> to vector<1024xi32>
    %broadcast_in_dim3A_365 = vector.shape_cast %reduce_min3A_364 : vector<1024xi32> to vector<1x1024xi32>
    %add3A_366 = arith.constant 5120 : i32
    %add3A_367 = vector.broadcast %add3A_366 : i32 to vector<1x1024xi32>
    %add3A_368 = arith.addi %broadcast_in_dim3A_365, %add3A_367 : vector<1x1024xi32>
    %lt3A_369 = arith.cmpf olt, %broadcast_in_dim3A_357, %select_n3A_336 : vector<1x1024xf32>
    %select_n3A_370 = arith.select %lt3A_369, %broadcast_in_dim3A_357, %select_n3A_336 : vector<1x1024xi1>, vector<1x1024xf32>
    %select_n3A_371 = arith.select %lt3A_369, %add3A_368, %select_n3A_337 : vector<1x1024xi1>, vector<1x1024xi32>
    %get3A_372 = arith.constant 0 : index
    %get3A_373 = arith.constant 5632 : index
    %get3A_374 = vector.load %arg2[%get3A_372, %get3A_373] : memref<64x8192xf32, #tpu.memory_space<vmem>>, vector<64x512xf32>
    %dot_general3A_375 = arith.constant dense<0.000000e+00> : vector<512x1024xf32>
    %dot_general3A_376 = tpu.matmul %get3A_374, %get3A_3, %dot_general3A_375 {dimension_numbers = #tpu.dot_dimension_numbers<[0], [0], [1], [1], [0, 1, 1, 1], [], []>, transpose_lhs_hint = false} : vector<64x512xf32>, vector<64x1024xf32>, vector<512x1024xf32> -> vector<512x1024xf32>
    %mul3A_377 = arith.mulf %get3A_374, %get3A_374 : vector<64x512xf32>
    %reduce_sum3A_378 = arith.constant dense<0.000000e+00> : vector<512xf32>
    %reduce_sum3A_379 = vector.multi_reduction <add>, %mul3A_377, %reduce_sum3A_378 [0] : vector<64x512xf32> to vector<512xf32>
    %broadcast_in_dim3A_380 = vector.shape_cast %reduce_sum3A_379 : vector<512xf32> to vector<1x512xf32>
    %transpose3A_381 = tpu.transpose %broadcast_in_dim3A_380, [1, 0] : vector<1x512xf32> -> vector<512x1xf32>
    %mul3A_382 = arith.constant 2.000000e+00 : f32
    %mul3A_383 = vector.broadcast %mul3A_382 : f32 to vector<512x1024xf32>
    %mul3A_384 = arith.mulf %mul3A_383, %dot_general3A_376 : vector<512x1024xf32>
    %sub3A_385 = vector.broadcast %transpose3A_7 : vector<1x1024xf32> to vector<512x1024xf32>
    %sub3A_386 = arith.subf %sub3A_385, %mul3A_384 : vector<512x1024xf32>
    %add3A_387 = vector.broadcast %transpose3A_381 : vector<512x1xf32> to vector<512x1024xf32>
    %add3A_388 = arith.addf %sub3A_386, %add3A_387 : vector<512x1024xf32>
    %reduce_min3A_389 = arith.constant dense<0x7F800000> : vector<1024xf32>
    %reduce_min3A_390 = vector.multi_reduction <minimumf>, %add3A_388, %reduce_min3A_389 [0] : vector<512x1024xf32> to vector<1024xf32>
    %broadcast_in_dim3A_391 = vector.shape_cast %reduce_min3A_390 : vector<1024xf32> to vector<1x1024xf32>
    %eq3A_392 = vector.broadcast %broadcast_in_dim3A_391 : vector<1x1024xf32> to vector<512x1024xf32>
    %eq3A_393 = arith.cmpf oeq, %add3A_388, %eq3A_392 : vector<512x1024xf32>
    %jit3A_394 = arith.constant 1073741824 : i32
    %broadcast_in_dim3A_395 = vector.broadcast %jit3A_394 : i32 to vector<512x1024xi32>
    %select_n3A_396 = arith.select %eq3A_393, %iota3A, %broadcast_in_dim3A_395 : vector<512x1024xi1>, vector<512x1024xi32>
    %reduce_min3A_397 = arith.constant dense<2147483647> : vector<1024xi32>
    %reduce_min3A_398 = vector.multi_reduction <minsi>, %select_n3A_396, %reduce_min3A_397 [0] : vector<512x1024xi32> to vector<1024xi32>
    %broadcast_in_dim3A_399 = vector.shape_cast %reduce_min3A_398 : vector<1024xi32> to vector<1x1024xi32>
    %add3A_400 = arith.constant 5632 : i32
    %add3A_401 = vector.broadcast %add3A_400 : i32 to vector<1x1024xi32>
    %add3A_402 = arith.addi %broadcast_in_dim3A_399, %add3A_401 : vector<1x1024xi32>
    %lt3A_403 = arith.cmpf olt, %broadcast_in_dim3A_391, %select_n3A_370 : vector<1x1024xf32>
    %select_n3A_404 = arith.select %lt3A_403, %broadcast_in_dim3A_391, %select_n3A_370 : vector<1x1024xi1>, vector<1x1024xf32>
    %select_n3A_405 = arith.select %lt3A_403, %add3A_402, %select_n3A_371 : vector<1x1024xi1>, vector<1x1024xi32>
    %get3A_406 = arith.constant 0 : index
    %get3A_407 = arith.constant 6144 : index
    %get3A_408 = vector.load %arg2[%get3A_406, %get3A_407] : memref<64x8192xf32, #tpu.memory_space<vmem>>, vector<64x512xf32>
    %dot_general3A_409 = arith.constant dense<0.000000e+00> : vector<512x1024xf32>
    %dot_general3A_410 = tpu.matmul %get3A_408, %get3A_3, %dot_general3A_409 {dimension_numbers = #tpu.dot_dimension_numbers<[0], [0], [1], [1], [0, 1, 1, 1], [], []>, transpose_lhs_hint = false} : vector<64x512xf32>, vector<64x1024xf32>, vector<512x1024xf32> -> vector<512x1024xf32>
    %mul3A_411 = arith.mulf %get3A_408, %get3A_408 : vector<64x512xf32>
    %reduce_sum3A_412 = arith.constant dense<0.000000e+00> : vector<512xf32>
    %reduce_sum3A_413 = vector.multi_reduction <add>, %mul3A_411, %reduce_sum3A_412 [0] : vector<64x512xf32> to vector<512xf32>
    %broadcast_in_dim3A_414 = vector.shape_cast %reduce_sum3A_413 : vector<512xf32> to vector<1x512xf32>
    %transpose3A_415 = tpu.transpose %broadcast_in_dim3A_414, [1, 0] : vector<1x512xf32> -> vector<512x1xf32>
    %mul3A_416 = arith.constant 2.000000e+00 : f32
    %mul3A_417 = vector.broadcast %mul3A_416 : f32 to vector<512x1024xf32>
    %mul3A_418 = arith.mulf %mul3A_417, %dot_general3A_410 : vector<512x1024xf32>
    %sub3A_419 = vector.broadcast %transpose3A_7 : vector<1x1024xf32> to vector<512x1024xf32>
    %sub3A_420 = arith.subf %sub3A_419, %mul3A_418 : vector<512x1024xf32>
    %add3A_421 = vector.broadcast %transpose3A_415 : vector<512x1xf32> to vector<512x1024xf32>
    %add3A_422 = arith.addf %sub3A_420, %add3A_421 : vector<512x1024xf32>
    %reduce_min3A_423 = arith.constant dense<0x7F800000> : vector<1024xf32>
    %reduce_min3A_424 = vector.multi_reduction <minimumf>, %add3A_422, %reduce_min3A_423 [0] : vector<512x1024xf32> to vector<1024xf32>
    %broadcast_in_dim3A_425 = vector.shape_cast %reduce_min3A_424 : vector<1024xf32> to vector<1x1024xf32>
    %eq3A_426 = vector.broadcast %broadcast_in_dim3A_425 : vector<1x1024xf32> to vector<512x1024xf32>
    %eq3A_427 = arith.cmpf oeq, %add3A_422, %eq3A_426 : vector<512x1024xf32>
    %jit3A_428 = arith.constant 1073741824 : i32
    %broadcast_in_dim3A_429 = vector.broadcast %jit3A_428 : i32 to vector<512x1024xi32>
    %select_n3A_430 = arith.select %eq3A_427, %iota3A, %broadcast_in_dim3A_429 : vector<512x1024xi1>, vector<512x1024xi32>
    %reduce_min3A_431 = arith.constant dense<2147483647> : vector<1024xi32>
    %reduce_min3A_432 = vector.multi_reduction <minsi>, %select_n3A_430, %reduce_min3A_431 [0] : vector<512x1024xi32> to vector<1024xi32>
    %broadcast_in_dim3A_433 = vector.shape_cast %reduce_min3A_432 : vector<1024xi32> to vector<1x1024xi32>
    %add3A_434 = arith.constant 6144 : i32
    %add3A_435 = vector.broadcast %add3A_434 : i32 to vector<1x1024xi32>
    %add3A_436 = arith.addi %broadcast_in_dim3A_433, %add3A_435 : vector<1x1024xi32>
    %lt3A_437 = arith.cmpf olt, %broadcast_in_dim3A_425, %select_n3A_404 : vector<1x1024xf32>
    %select_n3A_438 = arith.select %lt3A_437, %broadcast_in_dim3A_425, %select_n3A_404 : vector<1x1024xi1>, vector<1x1024xf32>
    %select_n3A_439 = arith.select %lt3A_437, %add3A_436, %select_n3A_405 : vector<1x1024xi1>, vector<1x1024xi32>
    %get3A_440 = arith.constant 0 : index
    %get3A_441 = arith.constant 6656 : index
    %get3A_442 = vector.load %arg2[%get3A_440, %get3A_441] : memref<64x8192xf32, #tpu.memory_space<vmem>>, vector<64x512xf32>
    %dot_general3A_443 = arith.constant dense<0.000000e+00> : vector<512x1024xf32>
    %dot_general3A_444 = tpu.matmul %get3A_442, %get3A_3, %dot_general3A_443 {dimension_numbers = #tpu.dot_dimension_numbers<[0], [0], [1], [1], [0, 1, 1, 1], [], []>, transpose_lhs_hint = false} : vector<64x512xf32>, vector<64x1024xf32>, vector<512x1024xf32> -> vector<512x1024xf32>
    %mul3A_445 = arith.mulf %get3A_442, %get3A_442 : vector<64x512xf32>
    %reduce_sum3A_446 = arith.constant dense<0.000000e+00> : vector<512xf32>
    %reduce_sum3A_447 = vector.multi_reduction <add>, %mul3A_445, %reduce_sum3A_446 [0] : vector<64x512xf32> to vector<512xf32>
    %broadcast_in_dim3A_448 = vector.shape_cast %reduce_sum3A_447 : vector<512xf32> to vector<1x512xf32>
    %transpose3A_449 = tpu.transpose %broadcast_in_dim3A_448, [1, 0] : vector<1x512xf32> -> vector<512x1xf32>
    %mul3A_450 = arith.constant 2.000000e+00 : f32
    %mul3A_451 = vector.broadcast %mul3A_450 : f32 to vector<512x1024xf32>
    %mul3A_452 = arith.mulf %mul3A_451, %dot_general3A_444 : vector<512x1024xf32>
    %sub3A_453 = vector.broadcast %transpose3A_7 : vector<1x1024xf32> to vector<512x1024xf32>
    %sub3A_454 = arith.subf %sub3A_453, %mul3A_452 : vector<512x1024xf32>
    %add3A_455 = vector.broadcast %transpose3A_449 : vector<512x1xf32> to vector<512x1024xf32>
    %add3A_456 = arith.addf %sub3A_454, %add3A_455 : vector<512x1024xf32>
    %reduce_min3A_457 = arith.constant dense<0x7F800000> : vector<1024xf32>
    %reduce_min3A_458 = vector.multi_reduction <minimumf>, %add3A_456, %reduce_min3A_457 [0] : vector<512x1024xf32> to vector<1024xf32>
    %broadcast_in_dim3A_459 = vector.shape_cast %reduce_min3A_458 : vector<1024xf32> to vector<1x1024xf32>
    %eq3A_460 = vector.broadcast %broadcast_in_dim3A_459 : vector<1x1024xf32> to vector<512x1024xf32>
    %eq3A_461 = arith.cmpf oeq, %add3A_456, %eq3A_460 : vector<512x1024xf32>
    %jit3A_462 = arith.constant 1073741824 : i32
    %broadcast_in_dim3A_463 = vector.broadcast %jit3A_462 : i32 to vector<512x1024xi32>
    %select_n3A_464 = arith.select %eq3A_461, %iota3A, %broadcast_in_dim3A_463 : vector<512x1024xi1>, vector<512x1024xi32>
    %reduce_min3A_465 = arith.constant dense<2147483647> : vector<1024xi32>
    %reduce_min3A_466 = vector.multi_reduction <minsi>, %select_n3A_464, %reduce_min3A_465 [0] : vector<512x1024xi32> to vector<1024xi32>
    %broadcast_in_dim3A_467 = vector.shape_cast %reduce_min3A_466 : vector<1024xi32> to vector<1x1024xi32>
    %add3A_468 = arith.constant 6656 : i32
    %add3A_469 = vector.broadcast %add3A_468 : i32 to vector<1x1024xi32>
    %add3A_470 = arith.addi %broadcast_in_dim3A_467, %add3A_469 : vector<1x1024xi32>
    %lt3A_471 = arith.cmpf olt, %broadcast_in_dim3A_459, %select_n3A_438 : vector<1x1024xf32>
    %select_n3A_472 = arith.select %lt3A_471, %broadcast_in_dim3A_459, %select_n3A_438 : vector<1x1024xi1>, vector<1x1024xf32>
    %select_n3A_473 = arith.select %lt3A_471, %add3A_470, %select_n3A_439 : vector<1x1024xi1>, vector<1x1024xi32>
    %get3A_474 = arith.constant 0 : index
    %get3A_475 = arith.constant 7168 : index
    %get3A_476 = vector.load %arg2[%get3A_474, %get3A_475] : memref<64x8192xf32, #tpu.memory_space<vmem>>, vector<64x512xf32>
    %dot_general3A_477 = arith.constant dense<0.000000e+00> : vector<512x1024xf32>
    %dot_general3A_478 = tpu.matmul %get3A_476, %get3A_3, %dot_general3A_477 {dimension_numbers = #tpu.dot_dimension_numbers<[0], [0], [1], [1], [0, 1, 1, 1], [], []>, transpose_lhs_hint = false} : vector<64x512xf32>, vector<64x1024xf32>, vector<512x1024xf32> -> vector<512x1024xf32>
    %mul3A_479 = arith.mulf %get3A_476, %get3A_476 : vector<64x512xf32>
    %reduce_sum3A_480 = arith.constant dense<0.000000e+00> : vector<512xf32>
    %reduce_sum3A_481 = vector.multi_reduction <add>, %mul3A_479, %reduce_sum3A_480 [0] : vector<64x512xf32> to vector<512xf32>
    %broadcast_in_dim3A_482 = vector.shape_cast %reduce_sum3A_481 : vector<512xf32> to vector<1x512xf32>
    %transpose3A_483 = tpu.transpose %broadcast_in_dim3A_482, [1, 0] : vector<1x512xf32> -> vector<512x1xf32>
    %mul3A_484 = arith.constant 2.000000e+00 : f32
    %mul3A_485 = vector.broadcast %mul3A_484 : f32 to vector<512x1024xf32>
    %mul3A_486 = arith.mulf %mul3A_485, %dot_general3A_478 : vector<512x1024xf32>
    %sub3A_487 = vector.broadcast %transpose3A_7 : vector<1x1024xf32> to vector<512x1024xf32>
    %sub3A_488 = arith.subf %sub3A_487, %mul3A_486 : vector<512x1024xf32>
    %add3A_489 = vector.broadcast %transpose3A_483 : vector<512x1xf32> to vector<512x1024xf32>
    %add3A_490 = arith.addf %sub3A_488, %add3A_489 : vector<512x1024xf32>
    %reduce_min3A_491 = arith.constant dense<0x7F800000> : vector<1024xf32>
    %reduce_min3A_492 = vector.multi_reduction <minimumf>, %add3A_490, %reduce_min3A_491 [0] : vector<512x1024xf32> to vector<1024xf32>
    %broadcast_in_dim3A_493 = vector.shape_cast %reduce_min3A_492 : vector<1024xf32> to vector<1x1024xf32>
    %eq3A_494 = vector.broadcast %broadcast_in_dim3A_493 : vector<1x1024xf32> to vector<512x1024xf32>
    %eq3A_495 = arith.cmpf oeq, %add3A_490, %eq3A_494 : vector<512x1024xf32>
    %jit3A_496 = arith.constant 1073741824 : i32
    %broadcast_in_dim3A_497 = vector.broadcast %jit3A_496 : i32 to vector<512x1024xi32>
    %select_n3A_498 = arith.select %eq3A_495, %iota3A, %broadcast_in_dim3A_497 : vector<512x1024xi1>, vector<512x1024xi32>
    %reduce_min3A_499 = arith.constant dense<2147483647> : vector<1024xi32>
    %reduce_min3A_500 = vector.multi_reduction <minsi>, %select_n3A_498, %reduce_min3A_499 [0] : vector<512x1024xi32> to vector<1024xi32>
    %broadcast_in_dim3A_501 = vector.shape_cast %reduce_min3A_500 : vector<1024xi32> to vector<1x1024xi32>
    %add3A_502 = arith.constant 7168 : i32
    %add3A_503 = vector.broadcast %add3A_502 : i32 to vector<1x1024xi32>
    %add3A_504 = arith.addi %broadcast_in_dim3A_501, %add3A_503 : vector<1x1024xi32>
    %lt3A_505 = arith.cmpf olt, %broadcast_in_dim3A_493, %select_n3A_472 : vector<1x1024xf32>
    %select_n3A_506 = arith.select %lt3A_505, %broadcast_in_dim3A_493, %select_n3A_472 : vector<1x1024xi1>, vector<1x1024xf32>
    %select_n3A_507 = arith.select %lt3A_505, %add3A_504, %select_n3A_473 : vector<1x1024xi1>, vector<1x1024xi32>
    %get3A_508 = arith.constant 0 : index
    %get3A_509 = arith.constant 7680 : index
    %get3A_510 = vector.load %arg2[%get3A_508, %get3A_509] : memref<64x8192xf32, #tpu.memory_space<vmem>>, vector<64x512xf32>
    %dot_general3A_511 = arith.constant dense<0.000000e+00> : vector<512x1024xf32>
    %dot_general3A_512 = tpu.matmul %get3A_510, %get3A_3, %dot_general3A_511 {dimension_numbers = #tpu.dot_dimension_numbers<[0], [0], [1], [1], [0, 1, 1, 1], [], []>, transpose_lhs_hint = false} : vector<64x512xf32>, vector<64x1024xf32>, vector<512x1024xf32> -> vector<512x1024xf32>
    %mul3A_513 = arith.mulf %get3A_510, %get3A_510 : vector<64x512xf32>
    %reduce_sum3A_514 = arith.constant dense<0.000000e+00> : vector<512xf32>
    %reduce_sum3A_515 = vector.multi_reduction <add>, %mul3A_513, %reduce_sum3A_514 [0] : vector<64x512xf32> to vector<512xf32>
    %broadcast_in_dim3A_516 = vector.shape_cast %reduce_sum3A_515 : vector<512xf32> to vector<1x512xf32>
    %transpose3A_517 = tpu.transpose %broadcast_in_dim3A_516, [1, 0] : vector<1x512xf32> -> vector<512x1xf32>
    %mul3A_518 = arith.constant 2.000000e+00 : f32
    %mul3A_519 = vector.broadcast %mul3A_518 : f32 to vector<512x1024xf32>
    %mul3A_520 = arith.mulf %mul3A_519, %dot_general3A_512 : vector<512x1024xf32>
    %sub3A_521 = vector.broadcast %transpose3A_7 : vector<1x1024xf32> to vector<512x1024xf32>
    %sub3A_522 = arith.subf %sub3A_521, %mul3A_520 : vector<512x1024xf32>
    %add3A_523 = vector.broadcast %transpose3A_517 : vector<512x1xf32> to vector<512x1024xf32>
    %add3A_524 = arith.addf %sub3A_522, %add3A_523 : vector<512x1024xf32>
    %reduce_min3A_525 = arith.constant dense<0x7F800000> : vector<1024xf32>
    %reduce_min3A_526 = vector.multi_reduction <minimumf>, %add3A_524, %reduce_min3A_525 [0] : vector<512x1024xf32> to vector<1024xf32>
    %broadcast_in_dim3A_527 = vector.shape_cast %reduce_min3A_526 : vector<1024xf32> to vector<1x1024xf32>
    %eq3A_528 = vector.broadcast %broadcast_in_dim3A_527 : vector<1x1024xf32> to vector<512x1024xf32>
    %eq3A_529 = arith.cmpf oeq, %add3A_524, %eq3A_528 : vector<512x1024xf32>
    %jit3A_530 = arith.constant 1073741824 : i32
    %broadcast_in_dim3A_531 = vector.broadcast %jit3A_530 : i32 to vector<512x1024xi32>
    %select_n3A_532 = arith.select %eq3A_529, %iota3A, %broadcast_in_dim3A_531 : vector<512x1024xi1>, vector<512x1024xi32>
    %reduce_min3A_533 = arith.constant dense<2147483647> : vector<1024xi32>
    %reduce_min3A_534 = vector.multi_reduction <minsi>, %select_n3A_532, %reduce_min3A_533 [0] : vector<512x1024xi32> to vector<1024xi32>
    %broadcast_in_dim3A_535 = vector.shape_cast %reduce_min3A_534 : vector<1024xi32> to vector<1x1024xi32>
    %add3A_536 = arith.constant 7680 : i32
    %add3A_537 = vector.broadcast %add3A_536 : i32 to vector<1x1024xi32>
    %add3A_538 = arith.addi %broadcast_in_dim3A_535, %add3A_537 : vector<1x1024xi32>
    %lt3A_539 = arith.cmpf olt, %broadcast_in_dim3A_527, %select_n3A_506 : vector<1x1024xf32>
    %select_n3A_540 = arith.select %lt3A_539, %add3A_538, %select_n3A_507 : vector<1x1024xi1>, vector<1x1024xi32>
    %reshape3A = vector.shape_cast %select_n3A_540 : vector<1x1024xi32> to vector<8x128xi32>
    %swap3A = arith.constant 0 : index
    %swap3A_541 = arith.constant 0 : index
    %swap3A_542 = vector.load %arg3[%swap3A, %swap3A_541] : memref<8x128xi32, #tpu.memory_space<vmem>>, vector<8x128xi32>
    tpu.vector_store %arg3[%swap3A, %swap3A_541], %reshape3A {strides = array<i32>} : memref<8x128xi32, #tpu.memory_space<vmem>>, vector<8x128xi32>,
    return
  }
  func.func @transform_0(%arg0: i32) -> (i32, i32, i32) {
    %c0_i32 = arith.constant 0 : i32
    %c0_i32_0 = arith.constant 0 : i32
    %c0_i32_1 = arith.constant 0 : i32
    return %arg0, %c0_i32, %c0_i32_0 : i32, i32, i32
  }
  func.func @transform_1(%arg0: i32) -> (i32, i32) {
    %c0_i32 = arith.constant 0 : i32
    %c0_i32_0 = arith.constant 0 : i32
    %c0_i32_1 = arith.constant 0 : i32
    return %c0_i32, %c0_i32_0 : i32, i32
  }
  func.func @transform_2(%arg0: i32) -> (i32, i32) {
    %c0_i32 = arith.constant 0 : i32
    %c0_i32_0 = arith.constant 0 : i32
    return %arg0, %c0_i32 : i32, i32
  }
  func.func @transform_3(%arg0: i32) -> (i32, i32) {
    %c0_i32 = arith.constant 0 : i32
    %c0_i32_0 = arith.constant 0 : i32
    %c0_i32_1 = arith.constant 0 : i32
    return %c0_i32, %c0_i32_0 : i32, i32
  }
}

module attributes {stable_mosaic.version = 14 : i64} {
  func.func @_s3_body(%arg0: i32, %arg1: memref<1x1024x64xf32, #tpu.memory_space<vmem>>, %arg2: memref<1x64x1024xf32, #tpu.memory_space<vmem>>, %arg3: memref<1x64x1024xf32, #tpu.memory_space<vmem>>, %arg4: memref<1x128xf32, #tpu.memory_space<vmem>>) attributes {dimension_semantics = [#tpu.dimension_semantics<arbitrary>], iteration_bounds = array<i64: 16>, scalar_prefetch = 0 : i64, scratch_operands = 0 : i64, tpu.core_type = #tpu.core_type<tc>, window_params = [{transform_indices = @transform_0, window_bounds = array<i64: 1, 1024, 64>}, {transform_indices = @transform_1, window_bounds = array<i64: 1, 64, 1024>}, {transform_indices = @transform_2, window_bounds = array<i64: 1, 64, 1024>}, {pipeline_mode = #tpu.pipeline_mode<synchronous>, transform_indices = @transform_3, window_bounds = array<i64: 1, 128>}]} {
    %get3A = arith.constant 0 : index
    %get3A_0 = arith.constant 0 : index
    %get3A_1 = arith.constant 0 : index
    %get3A_2 = vector.load %arg1[%get3A, %get3A_0, %get3A_1] : memref<1x1024x64xf32, #tpu.memory_space<vmem>>, vector<1x1024x64xf32>
    %get3A_3 = vector.shape_cast %get3A_2 : vector<1x1024x64xf32> to vector<1024x64xf32>
    %get3A_4 = arith.constant 0 : index
    %get3A_5 = arith.constant 0 : index
    %get3A_6 = arith.constant 0 : index
    %get3A_7 = vector.load %arg2[%get3A_4, %get3A_5, %get3A_6] : memref<1x64x1024xf32, #tpu.memory_space<vmem>>, vector<1x64x1024xf32>
    %get3A_8 = vector.shape_cast %get3A_7 : vector<1x64x1024xf32> to vector<64x1024xf32>
    %transpose3A = tpu.transpose %get3A_3, [1, 0] : vector<1024x64xf32> -> vector<64x1024xf32>
    %sub3A = arith.subf %transpose3A, %get3A_8 : vector<64x1024xf32>
    %add3A = arith.addf %get3A_8, %sub3A : vector<64x1024xf32>
    %swap3A = arith.constant 0 : index
    %swap3A_9 = arith.constant 0 : index
    %swap3A_10 = arith.constant 0 : index
    %swap3A_11 = vector.load %arg3[%swap3A, %swap3A_9, %swap3A_10] : memref<1x64x1024xf32, #tpu.memory_space<vmem>>, vector<1x64x1024xf32>
    %swap3A_12 = vector.shape_cast %swap3A_11 : vector<1x64x1024xf32> to vector<64x1024xf32>
    %swap3A_13 = vector.shape_cast %add3A : vector<64x1024xf32> to vector<1x64x1024xf32>
    tpu.vector_store %arg3[%swap3A, %swap3A_9, %swap3A_10], %swap3A_13 {strides = array<i32>} : memref<1x64x1024xf32, #tpu.memory_space<vmem>>, vector<1x64x1024xf32>,
    %mul3A = arith.mulf %sub3A, %sub3A : vector<64x1024xf32>
    %reduce_sum3A = vector.shape_cast %mul3A : vector<64x1024xf32> to vector<1x64x1024xf32>
    %reduce_sum3A_14 = arith.constant dense<0.000000e+00> : vector<1xf32>
    %reduce_sum3A_15 = vector.multi_reduction <add>, %reduce_sum3A, %reduce_sum3A_14 [1, 2] : vector<1x64x1024xf32> to vector<1xf32>
    %reduce_sum3A_16 = vector.shape_cast %reduce_sum3A_15 : vector<1xf32> to vector<1x1x1xf32>
    %reduce_sum3A_17 = vector.extract %reduce_sum3A_16[0, 0, 0] : f32 from vector<1x1x1xf32>
    %broadcast_in_dim3A = vector.broadcast %reduce_sum3A_17 : f32 to vector<1x128xf32>
    %eq3A = arith.constant 0 : i32
    %eq3A_18 = arith.cmpi eq, %arg0, %eq3A : i32
    %convert_element_type3A = arith.extui %eq3A_18 : i1 to i32
    %cond3A = arith.constant 0 : i32
    %cond3A_19 = arith.cmpi ne, %convert_element_type3A, %cond3A : i32
    scf.if %cond3A_19 {
      %swap3A_24 = arith.constant 0 : index
      %swap3A_25 = arith.constant 0 : index
      %swap3A_26 = vector.load %arg4[%swap3A_24, %swap3A_25] : memref<1x128xf32, #tpu.memory_space<vmem>>, vector<1x128xf32>
      tpu.vector_store %arg4[%swap3A_24, %swap3A_25], %broadcast_in_dim3A {strides = array<i32>} : memref<1x128xf32, #tpu.memory_space<vmem>>, vector<1x128xf32>,
    } else {
    }
    %gt3A = arith.constant 0 : i32
    %gt3A_20 = arith.cmpi sgt, %arg0, %gt3A : i32
    %convert_element_type3A_21 = arith.extui %gt3A_20 : i1 to i32
    %cond3A_22 = arith.constant 0 : i32
    %cond3A_23 = arith.cmpi ne, %convert_element_type3A_21, %cond3A_22 : i32
    scf.if %cond3A_23 {
      %get3A_24 = arith.constant 0 : index
      %get3A_25 = arith.constant 0 : index
      %get3A_26 = vector.load %arg4[%get3A_24, %get3A_25] : memref<1x128xf32, #tpu.memory_space<vmem>>, vector<1x128xf32>
      %add3A_27 = arith.addf %get3A_26, %broadcast_in_dim3A : vector<1x128xf32>
      %swap3A_28 = arith.constant 0 : index
      %swap3A_29 = arith.constant 0 : index
      %swap3A_30 = vector.load %arg4[%swap3A_28, %swap3A_29] : memref<1x128xf32, #tpu.memory_space<vmem>>, vector<1x128xf32>
      tpu.vector_store %arg4[%swap3A_28, %swap3A_29], %add3A_27 {strides = array<i32>} : memref<1x128xf32, #tpu.memory_space<vmem>>, vector<1x128xf32>,
    } else {
    }
    return
  }
  func.func @transform_0(%arg0: i32) -> (i32, i32, i32) {
    %c0_i32 = arith.constant 0 : i32
    %c0_i32_0 = arith.constant 0 : i32
    %c0_i32_1 = arith.constant 0 : i32
    return %arg0, %c0_i32, %c0_i32_0 : i32, i32, i32
  }
  func.func @transform_1(%arg0: i32) -> (i32, i32, i32) {
    %c0_i32 = arith.constant 0 : i32
    %c0_i32_0 = arith.constant 0 : i32
    %c0_i32_1 = arith.constant 0 : i32
    return %arg0, %c0_i32, %c0_i32_0 : i32, i32, i32
  }
  func.func @transform_2(%arg0: i32) -> (i32, i32, i32) {
    %c0_i32 = arith.constant 0 : i32
    %c0_i32_0 = arith.constant 0 : i32
    %c0_i32_1 = arith.constant 0 : i32
    return %arg0, %c0_i32, %c0_i32_0 : i32, i32, i32
  }
  func.func @transform_3(%arg0: i32) -> (i32, i32) {
    %c0_i32 = arith.constant 0 : i32
    %c0_i32_0 = arith.constant 0 : i32
    %c0_i32_1 = arith.constant 0 : i32
    return %c0_i32, %c0_i32_0 : i32, i32
  }
}

</mosaic_0001>

<sc_bundles>
// kernel: kernel.5.cloned.1.call-start
scs
__scs_entry_jumppad:
0x0: {  	(pc) =	sbr.rel $0x88, $3  }
0x1: {  	(tag) =	ssettag $0x0;
	lr =	simm.s32 $0x1  }
0x2: {  	[smem:$0x3F9F] =	sst lr;
	_ =	strace $0xD0000000  }
0x3: {  	_ = 	snop  }
0x4: {  	_ = 	snop  }
0x5: {  	_ = 	snop  }
0x6: {  	_ = 	snop  }
0x7: {  	_ = 	snop  }
__scs_overlays_trampoline_lowered:
0x8: {  	[smem:$0x3FAE] =	sst s0  }
0x9: {  	[smem:$0x3FAF] =	sst s1  }
0xa: {  	[smem:$0x3FB0] =	sst s2  }
0xb: {  	[smem:$0x3FB1] =	sst s3  }
0xc: {  	[smem:$0x3FB2] =	sst s4  }
0xd: {  	[smem:$0x3FB3] =	sst s5  }
0xe: {  	[smem:$0x3FB4] =	sst s6  }
0xf: {  	[smem:$0x3FB5] =	sst s7  }
0x10: {  	[smem:$0x3FB6] =	sst s8  }
0x11: {  	[smem:$0x3FB7] =	sst s9;
	s0 =	simm.s32 @!p0 $0x0  }
0x12: {  	s1 =	sld [smem:$0x3F9D];
	s0 =	simm.s32 @p0 $0x1  }
0x13: {  	[smem:$0x3FB8] =	sst s0;
	s0 =	simm.s32 @!p1 $0x0  }
0x14: {  	s2 =	sld [smem:$0x3F9C];
	s0 =	simm.s32 @p1 $0x1  }
0x15: {  	[smem:$0x3FB9] =	sst s0;
	s0 =	simm.s32 @!p2 $0x0  }
0x16: {  	s3 =	sld [smem:$0x3FDB];
	s0 =	simm.s32 @p2 $0x1  }
0x17: {  	s4 =	simm.s32 $0x1BF5;
	[smem:$0x3FBB] =	sst s0  }
0x18: {  	s0 =	sld [smem:$0x3F9E];
	_ =	swait.ge [sflag:s4], $0x0  }
0x19: {  	s7 =	sld [smem:$0x3F9F]  }
0x1a: {  	s8 =	sadd.s32 $0xFFFFE003, lr  }
0x1b: {  	s9 =	sadd.s32 $0xFFFFFEF7, lr;
	s5 =	simm.s32 $0xFFFFFFFF;
	p2 =	slt.u32 s8, $0xFFFFF086  }
0x1c: {  	p1 =	slt.u32 s9, $0xF7A;
	s5 =	simm.s32 @!p2 $0x0  }
0x1d: {  	s5 =	simm.s32 @p1 $0x1;
	p0 =	seq.s32 s7, s2  }
0x1e: {  	s7 =	smul.u32 @!p0 $0xF7A, s2;
	p2 =	seq.s32 @!p0 s5, $0x0  }
0x1f: {  	s9 =	smul.u32 $0xF7A, s1;
	s8 =	simm.s32 @!p0 $0x1BF5;
	p2 =	por !p2, p0  }
0x20: {  	[sflag:s8] =	ssyncset.s32 @!p0 $0xFFFFF086;
	s6 =	sadd.s32 @!p0 s3, s7;
	s7 =	simm.s32 @!p0 $0x108  }
0x21: {  	s3 =	sadd.s32 s3, s9;
	s6 =	sadd.s32 @!p0 $0x88, s6;
	s7 =	simm.s32 @p2 $0x1082  }
0x22: {  	[simem:s7], [sflag:s8] =	dma.local @!p0 [hbm:s6], $0xF7A  }
0x23: {  	s9 =	sor.u32 $0xD0000000, s2;
	s6 =	simm.s32 $0x108;
	_ =	swait.ge @!p0 [sflag:s8], $0x0  }
0x24: {  	s3 =	sadd.s32 $0x88, s3;
	s6 =	simm.s32 @!p1 $0x1082;
	[sflag:s4] =	ssyncset.s32 $0xFFFFF086  }
0x25: {  	[simem:s6], [sflag:s4] =	dma.local [hbm:s3], $0xF7A  }
0x26: {  	[smem:$0x3F9F] =	sst s1;
	(tag) =	ssettag s2;
	_ =	strace s9  }
0x27: {  	s1 =	sld [smem:$0x3FAF]  }
0x28: {  	s2 =	sld [smem:$0x3FB0]  }
0x29: {  	s4 =	sld [smem:$0x3FB2]  }
0x2a: {  	p0 =	seq.s32 s5, $0x0;
	s5 =	sld [smem:$0x3FB3]  }
0x2b: {  	s6 =	sld [smem:$0x3FB4]  }
0x2c: {  	s7 =	sld [smem:$0x3FB5]  }
0x2d: {  	s3 =	simm.s32 $0x108;
	s8 =	sld [smem:$0x3FB6]  }
0x2e: {  	s3 =	simm.s32 @!p0 $0x1082;
	s9 =	sld [smem:$0x3FB7]  }
0x2f: {  	lr =	sadd.s32 s0, s3;
	s0 =	sld [smem:$0x3FAE]  }
0x30: {  	s3 =	sld [smem:$0x3FB1]  }
0x31: {  	[smem:$0x3FBA] =	sst s10  }
0x32: {  	s10 =	sld [smem:$0x3FB8];
	_ =	sdelay $0x3  }
0x33: {  	p0 =	seq.s32 s10, $0x1;
	s10 =	sld [smem:$0x3FBA];
	_ =	sdelay $0x3  }
0x34: {  	[smem:$0x3FBA] =	sst s10  }
0x35: {  	s10 =	sld [smem:$0x3FB9];
	_ =	sdelay $0x3  }
0x36: {  	p1 =	seq.s32 s10, $0x1;
	s10 =	sld [smem:$0x3FBA];
	_ =	sdelay $0x3  }
0x37: {  	[smem:$0x3FBA] =	sst s10  }
0x38: {  	s10 =	sld [smem:$0x3FBB]  }
0x39: {  	_ = 	snop;
	(pc) =	sbr.ind lr, $3  }
0x3a: {  	_ = 	snop  }
0x3b: {  	_ = 	snop  }
0x3c: {  	p2 =	seq.s32 s10, $0x1;
	s10 =	sld [smem:$0x3FBA]  }
0x3d: {  	_ =	shalt  }
0x3e: {  	_ =	shalt  }
0x3f: {  	_ =	shalt  }
0x40: {  	_ =	shalt  }
0x41: {  	_ =	shalt  }
0x42: {  	_ =	shalt  }
0x43: {  	_ =	shalt  }
0x44: {  	_ =	shalt  }
0x45: {  	_ =	shalt  }
0x46: {  	_ =	shalt  }
0x47: {  	_ =	shalt  }
0x48: {  	_ =	shalt  }
0x49: {  	_ =	shalt  }
0x4a: {  	_ =	shalt  }
0x4b: {  	_ =	shalt  }
0x4c: {  	_ =	shalt  }
0x4d: {  	_ =	shalt  }
0x4e: {  	_ =	shalt  }
0x4f: {  	_ =	shalt  }
0x50: {  	_ =	shalt  }
0x51: {  	_ =	shalt  }
0x52: {  	_ =	shalt  }
0x53: {  	_ =	shalt  }
0x54: {  	_ =	shalt  }
0x55: {  	_ =	shalt  }
0x56: {  	_ =	shalt  }
0x57: {  	_ =	shalt  }
0x58: {  	_ =	shalt  }
0x59: {  	_ =	shalt  }
0x5a: {  	_ =	shalt  }
0x5b: {  	_ =	shalt  }
0x5c: {  	_ =	shalt  }
0x5d: {  	_ =	shalt  }
0x5e: {  	_ =	shalt  }
0x5f: {  	_ =	shalt  }
0x60: {  	_ =	shalt  }
0x61: {  	_ =	shalt  }
0x62: {  	_ =	shalt  }
0x63: {  	_ =	shalt  }
0x64: {  	_ =	shalt  }
0x65: {  	_ =	shalt  }
0x66: {  	_ =	shalt  }
0x67: {  	_ =	shalt  }
0x68: {  	_ =	shalt  }
0x69: {  	_ =	shalt  }
0x6a: {  	_ =	shalt  }
0x6b: {  	_ =	shalt  }
0x6c: {  	_ =	shalt  }
0x6d: {  	_ =	shalt  }
0x6e: {  	_ =	shalt  }
0x6f: {  	_ =	shalt  }
0x70: {  	_ =	shalt  }
0x71: {  	_ =	shalt  }
0x72: {  	_ =	shalt  }
0x73: {  	_ =	shalt  }
0x74: {  	_ =	shalt  }
0x75: {  	_ =	shalt  }
0x76: {  	_ =	shalt  }
0x77: {  	_ =	shalt  }
0x78: {  	_ =	shalt  }
0x79: {  	_ =	shalt  }
0x7a: {  	_ =	shalt  }
0x7b: {  	_ =	shalt  }
0x7c: {  	_ =	shalt  }
0x7d: {  	_ =	shalt  }
0x7e: {  	_ =	shalt  }
0x7f: {  	_ =	shalt  }
0x80: {  	_ =	shalt  }
0x81: {  	_ =	shalt  }
0x82: {  	_ =	shalt  }
0x83: {  	_ =	shalt  }
0x84: {  	_ =	shalt  }
0x85: {  	_ =	shalt  }
0x86: {  	_ =	shalt  }
0x87: {  	_ =	shalt  }
.Lfunc_end0:
.L_simem_size_0:
called_computation_lowered:
.L_overlay_start_0:
0x88: {  	s2 =	sld [smem:$0x3FD9]  }
0x89: {  	s3 =	sld [smem:$0x3FFE];
	_ =	sdelay $0x1  }
0x8a: {  	s1 =	srdreg.scid  }
0x8b: {  	s0 =	sand.u32 $0x1, s1  }
0x8c: {  	s14 =	sshll.u32 s0, $0xA;
	s2 =	sadd.s32 s3, s2  }
0x8d: {  	s2 =	sadd.s32 s2, s14  }
0x8e: {  	[smem:$0x3FC6] =	sst s2  }
0x8f: {  	_ = 	snop  }
0x90: {  	s2 =	sld [smem:$0x3FD0];
	_ =	sdelay $0x2  }
0x91: {  	s15 =	simm.s32 $0xA;
	s4 =	simm.s32 $0x10  }
0x92: {  	[smem:s4], [sflag:s15] =	dma.local [hbm:s2], $0x1  }
0x93: {  	_ =	swait.eq [sflag:s15], $0x1  }
0x94: {  	[sflag:s15] =	ssyncset.done $0x0  }
0x95: {  	[sflag:s15] =	ssyncadd.s32 $0xFFFFFFFF  }
0x96: {  	s16 =	sld [smem:$0x10];
	(tm) =	ssettm $0x1  }
0x97: {  	s17 =	sld [smem:$0x3FFB];
	_ =	sdelay $0x3  }
0x98: {  	_ =	strace s17  }
0x99: {  	s3 =	sld [smem:$0x3FFC];
	_ =	sdelay $0x3  }
0x9a: {  	_ =	strace s3  }
0x9b: {  	s3 =	sld [smem:$0x3FFD];
	_ =	sdelay $0x3  }
0x9c: {  	_ =	strace s3  }
0x9d: {  	_ =	strace $0x8FFFFFFF  }
0x9e: {  	s18 =	sld [smem:$0x3FDB];
	_ =	sdelay $0x1  }
0x9f: {  	s19 =	simm.s32 $_scs_section_size  }
0xa0: {  	s5 =	simm.s32 $_size__tile_overlayer_lowered;
	s6 =	simm.s32 $_tile_overlayer_lowered  }
0xa1: {  	s22 =	simm.s32 $0x1BFF;
	s21 =	sshll.u32 s6, $0x1;
	s3 =	sadd.s32 s19, s18  }
0xa2: {  	s7 =	simm.s32 $0x0;
	s20 =	sshll.u32 s5, $0x1;
	s5 =	sadd.s32 s21, s3  }
0xa3: {  	[timem:s7], [sflag:s22] =	dma.local [hbm:s5], s20  }
0xa4: {  	_ =	swait.ge [sflag:s22], s20  }
0xa5: {  	s4 =	ssub.s32 $0x0, s20;
	[sflag:s22] =	ssyncset.done $0x0  }
0xa6: {  	[sflag:s22] =	ssyncadd.s32 s4;
	_ =	sdelay $0x1  }
0xa7: {  	s23 =	simm.s32 $0x1B8B  }
0xa8: {  	_ =	swait.ge [sflag:s23], $0x1  }
0xa9: {  	[sflag:s23] =	ssyncset.done $0x0  }
0xaa: {  	s25 =	simm.s32 $0x1B8E;
	s24 =	sld [smem:$0x3FFE];
	[sflag:s23] =	ssyncadd.s32 $0xFFFFFFFF  }
0xab: {  	s26 =	simm.s32 $execute0_lowered;
	[smem:$0x3FD2] =	sst s25  }
0xac: {  	s5 =	sshll.u32 s26, $0x1;
	_ =	strace $0x80000046;
	[dreg:$0x1] =	wrdreg $0xFFFFFFFF  }
0xad: {  	s28 =	simm.s32 $_size_execute0_lowered;
	s3 =	sadd.s32 s3, s5;
	[dreg:$0x0] =	wrdreg $0x0  }
0xae: {  	s5 =	sshll.u32 s28, $0x1;
	[dreg:$0x2] =	wrdreg s3  }
0xaf: {  	[dreg:$0x3] =	wrdreg s5  }
0xb0: {  	[dreg:$0x4] =	wrdreg $0xC0  }
0xb1: {  	_ =	task [dreg:s7], $0x5FFFF  }
0xb2: {  	[dreg:$0x1] =	wrdreg $0xFFFFFFFF  }
0xb3: {  	[dreg:$0x0] =	wrdreg $0x60  }
0xb4: {  	[dreg:$0x2] =	wrdreg s24  }
0xb5: {  	[dreg:$0x3] =	wrdreg s16  }
0xb6: {  	[dreg:$0x4] =	wrdreg $0x9  }
0xb7: {  	_ =	task.clear_ibuf [dreg:s7], $0x5FFFF;
	_ =	strace $0x90000046  }
0xb8: {  	s29 =	simm.s32 $0x9;
	_ =	strace $0x80000048  }
0xb9: {  	_ =	swait.ge [sflag:s29], $0x1  }
0xba: {  	[sflag:s29] =	ssyncadd.s32 $0xFFFFFFFF  }
0xbb: {  	_ =	strace $0x90000048  }
0xbc: {  	_ =	sfence  }
0xbd: {  	s30 =	sld [smem:$0x0];
	_ =	sdelay $0x2  }
0xbe: {  	s31 =	sshll.u32 s1, $0xD;
	s1 =	sshrl.u32 s1, $0x2  }
0xbf: {  	s3 =	sand.u32 $0x4000, s31;
	s1 =	sadd.s32 s1, s30  }
0xc0: {  	s0 =	sor.u32 s3, s0;
	s1 =	sshll.u32 s1, $0x11  }
0xc1: {  	s0 =	sor.u32 s1, s0  }
0xc2: {  	s0 =	sadd.s32 $0x8F2B, s0  }
0xc3: {  	[sflag:s0] =	ssyncadd.remote.s32 $0x1  }
0xc4: {  	_ =	sfence.sel $0xFFFF  }
0xc5: {  	[dreg:$0x0] =	wrdreg $0xFFFFFFFF;
	(pc) =	sbr.abs _section_cstart, $3  }
0xc6: {  	[dreg:$0x1] =	wrdreg $0xFFFFFFFF  }
0xc7: {  	_ =	task.clear_ibuf [dreg:s7], $0x2FFFF;
	_ =	strace $0x9FFFFFFF  }
0xc8: {  	(tm) =	ssettm $0x7FFFFFFF  }
0xc9: {  	_ =	shalt  }
tec
execute0_lowered:
.L_overlay_start_1:
0x0: {  	(tag) =	ssettag $0x1  }
0x1: {  	s1 =	srdreg.scid;
	s0 =	stileid.u32  }
0x2: {  	s5 =	rddreg [dreg:$0x0];
	s16 =	sand.u32 $0x1, s1;
	s31 =	sshll.u32 s0, $0x1  }
0x3: {  	s14 =	rddreg [dreg:$0x1];
	s15 =	sor.u32 s16, s31  }
0x4: {  	s2 =	simm.s32 $0x0;
	s1 =	rddreg [dreg:$0x2];
	s3 =	sshll.u32 s15, $0x6  }
0x5: {  	[smem:$0x7FF] =	sst s2;
	s3 =	sadd.s32 s3, s5  }
0x6: {  	_ =	strace $0x80000047;
	s4 =	sadd.s32 $0xE00, s3;
	s3 =	simm.s32 $0x2  }
0x7: {  	[tilespmem:s2], [sflag:$0x2] =	stream.linear.gather [hbm4b:s4+s2], $0x200, $0x38;
	[tilespmem:$0x8200] =	vst v63  }
0x8: {  	_ =	swait.ge [sflag:s3], $0x200  }
0x9: {  	s6 =	simm.s32 $0x80;
	[sflag:s3] =	ssyncset.done $0x0  }
0xa: {  	s7 =	simm.s32 $0x200;
	s5 =	sadd.s32 $0x1600, s5;
	[sflag:s3] =	ssyncadd.s32 $0xFFFFFE00  }
0xb: {  	[tilespmem:s7], [sflag:$0x1] =	stream.indirect.gather [hbm4b:s5+s6], $0x40, s2, s6, $0xb8;
	[tilespmem:$0x8200] =	vst v63  }
0xc: {  	s8 =	simm.s32 $0x2200  }
0xd: {  	[tilespmem:s8], [sflag:$0x1] =	stream.indirect.gather [hbm4b:s5+s6], $0x40, s6, s6, $0xb8;
	[tilespmem:$0x8200] =	vst v63  }
0xe: {  	s9 =	simm.s32 $0x100;
	s10 =	simm.s32 $0x4200  }
0xf: {  	[tilespmem:s10], [sflag:$0x1] =	stream.indirect.gather [hbm4b:s5+s6], $0x40, s9, s6, $0xb8;
	[tilespmem:$0x8200] =	vst v63  }
0x10: {  	s11 =	simm.s32 $0x180;
	s12 =	simm.s32 $0x6200;
	s13 =	simm.s32 $0x1  }
0x11: {  	[tilespmem:s12], [sflag:$0x1] =	stream.indirect.gather [hbm4b:s5+s6], $0x40, s11, s6, $0xb8;
	[tilespmem:$0x8200] =	vst v63  }
0x12: {  	_ =	swait.ge [sflag:s13], $0x2000  }
0x13: {  	[sflag:s13] =	ssyncset.done $0x0  }
0x14: {  	[sflag:s13] =	ssyncadd.s32 $0xFFFFE000  }
0x15: {  	_ =	swait.ge [sflag:s13], $0x2000  }
0x16: {  	[sflag:s13] =	ssyncset.done $0x0  }
0x17: {  	[sflag:s13] =	ssyncadd.s32 $0xFFFFE000  }
0x18: {  	_ =	swait.ge [sflag:s13], $0x2000  }
0x19: {  	[sflag:s13] =	ssyncset.done $0x0  }
0x1a: {  	[sflag:s13] =	ssyncadd.s32 $0xFFFFE000  }
0x1b: {  	_ =	swait.ge [sflag:s13], $0x2000  }
0x1c: {  	s15 =	sshll.u32 s15, $0xC;
	[sflag:s13] =	ssyncset.done $0x0  }
0x1d: {  	s14 =	sadd.s32 s14, s15;
	[sflag:s13] =	ssyncadd.s32 $0xFFFFE000  }
0x1e: {  	[hbm4b:s14+s2] =	stream.linear.scatter [tilespmem:s7], [sflag:$0x2], $0x2000, $0x38;
	[tilespmem:$0x8200] =	vst v63  }
0x1f: {  	_ =	swait.ge [sflag:s3], $0x2000  }
0x20: {  	[sflag:s3] =	ssyncset.done $0x0  }
0x21: {  	s17 =	ssub.s32 $0x2, s16;
	s15 =	sadd.s32 $0x400, s14;
	[sflag:s3] =	ssyncadd.s32 $0xFFFFE000  }
0x22: {  	[hbm4b:s15+s2] =	stream.linear.scatter [tilespmem:s8], [sflag:$0x2], $0x2000, $0x38;
	[tilespmem:$0x8200] =	vst v63  }
0x23: {  	s18 =	sshrl.u32 s17, $0x1;
	_ =	swait.ge [sflag:s3], $0x2000  }
0x24: {  	s18 =	ssub.s32 s17, s18;
	[sflag:s3] =	ssyncset.done $0x0  }
0x25: {  	s16 =	sadd.s32 $0x800, s14;
	s18 =	smax.u32 s18, $0x1;
	[sflag:s3] =	ssyncadd.s32 $0xFFFFE000  }
0x26: {  	[hbm4b:s16+s2] =	stream.linear.scatter [tilespmem:s10], [sflag:$0x2], $0x2000, $0x38;
	[tilespmem:$0x8200] =	vst v63  }
0x27: {  	p0 =	sne.s32 s18, $0x1;
	_ =	swait.ge [sflag:s3], $0x2000  }
.Ltmp0:
0x28: {  	[sflag:s3] =	ssyncset.done $0x0;
	(pc) =	sbr.rel @!p0 .LBB2_2-.Ltmp0, $4  }
0x29: {  	s17 =	sadd.s32 $0xC00, s14;
	[sflag:s3] =	ssyncadd.s32 $0xFFFFE000  }
0x2a: {  	[hbm4b:s17+s2] =	stream.linear.scatter [tilespmem:s12], [sflag:$0x2], $0x2000, $0x38;
	[tilespmem:$0x8200] =	vst v63  }
0x2b: {  	_ =	swait.ge [sflag:s3], $0x2000  }
0x2c: {  	s18 =	sadd.s32 $0xFFFFFFFF, s18;
	[sflag:s3] =	ssyncset.done $0x0  }
.LBB2_1:
0x2d: {  	p0 =	sne.s32 s18, $0x1;
	s18 =	sadd.s32 $0xFFFFFFFF, s18;
	[sflag:s3] =	ssyncadd.s32 $0xFFFFE000  }
0x2e: {  	[tilespmem:s2], [sflag:$0x2] =	stream.linear.gather [hbm4b:s4+s2], $0x200, $0x38;
	[tilespmem:$0x8200] =	vst v63  }
0x2f: {  	_ =	swait.ge [sflag:s3], $0x200  }
0x30: {  	[sflag:s3] =	ssyncset.done $0x0  }
0x31: {  	[sflag:s3] =	ssyncadd.s32 $0xFFFFFE00  }
0x32: {  	[tilespmem:s7], [sflag:$0x1] =	stream.indirect.gather [hbm4b:s5+s6], $0x40, s2, s6, $0xb8;
	[tilespmem:$0x8200] =	vst v63  }
0x33: {  	_ = 	snop  }
0x34: {  	[tilespmem:s8], [sflag:$0x1] =	stream.indirect.gather [hbm4b:s5+s6], $0x40, s6, s6, $0xb8;
	[tilespmem:$0x8200] =	vst v63  }
0x35: {  	_ = 	snop  }
0x36: {  	[tilespmem:s10], [sflag:$0x1] =	stream.indirect.gather [hbm4b:s5+s6], $0x40, s9, s6, $0xb8;
	[tilespmem:$0x8200] =	vst v63  }
0x37: {  	_ = 	snop  }
0x38: {  	[tilespmem:s12], [sflag:$0x1] =	stream.indirect.gather [hbm4b:s5+s6], $0x40, s11, s6, $0xb8;
	[tilespmem:$0x8200] =	vst v63  }
0x39: {  	_ =	swait.ge [sflag:s13], $0x2000  }
0x3a: {  	[sflag:s13] =	ssyncset.done $0x0  }
0x3b: {  	[sflag:s13] =	ssyncadd.s32 $0xFFFFE000  }
0x3c: {  	_ =	swait.ge [sflag:s13], $0x2000  }
0x3d: {  	[sflag:s13] =	ssyncset.done $0x0  }
0x3e: {  	[sflag:s13] =	ssyncadd.s32 $0xFFFFE000  }
0x3f: {  	_ =	swait.ge [sflag:s13], $0x2000  }
0x40: {  	[sflag:s13] =	ssyncset.done $0x0  }
0x41: {  	[sflag:s13] =	ssyncadd.s32 $0xFFFFE000  }
0x42: {  	_ =	swait.ge [sflag:s13], $0x2000  }
0x43: {  	[sflag:s13] =	ssyncset.done $0x0  }
0x44: {  	[sflag:s13] =	ssyncadd.s32 $0xFFFFE000  }
0x45: {  	[hbm4b:s14+s2] =	stream.linear.scatter [tilespmem:s7], [sflag:$0x2], $0x2000, $0x38;
	[tilespmem:$0x8200] =	vst v63  }
0x46: {  	_ =	swait.ge [sflag:s3], $0x2000  }
0x47: {  	[sflag:s3] =	ssyncset.done $0x0  }
0x48: {  	[sflag:s3] =	ssyncadd.s32 $0xFFFFE000  }
0x49: {  	[hbm4b:s15+s2] =	stream.linear.scatter [tilespmem:s8], [sflag:$0x2], $0x2000, $0x38;
	[tilespmem:$0x8200] =	vst v63  }
0x4a: {  	_ =	swait.ge [sflag:s3], $0x2000  }
0x4b: {  	[sflag:s3] =	ssyncset.done $0x0  }
0x4c: {  	[sflag:s3] =	ssyncadd.s32 $0xFFFFE000  }
0x4d: {  	[hbm4b:s16+s2] =	stream.linear.scatter [tilespmem:s10], [sflag:$0x2], $0x2000, $0x38;
	[tilespmem:$0x8200] =	vst v63  }
0x4e: {  	_ =	swait.ge [sflag:s3], $0x2000  }
.Ltmp1:
0x4f: {  	[sflag:s3] =	ssyncset.done $0x0;
	(pc) =	sbr.rel @p0 .LBB2_1-.Ltmp1, $4  }
0x50: {  	[sflag:s3] =	ssyncadd.s32 $0xFFFFE000  }
0x51: {  	[hbm4b:s17+s2] =	stream.linear.scatter [tilespmem:s12], [sflag:$0x2], $0x2000, $0x38;
	[tilespmem:$0x8200] =	vst v63  }
0x52: {  	_ =	swait.ge [sflag:s3], $0x2000  }
0x53: {  	[sflag:s3] =	ssyncset.done $0x0  }
.LBB2_2:
0x54: {  	[sflag:s3] =	ssyncadd.s32 $0xFFFFE000  }
0x55: {  	_ =	sfence.sel $0x180000  }
0x56: {  	[bflag:$0x0] =	sbarrier.arrive $0xFFFF  }
0x57: {  	p0 =	sne.s32 s0, $0x0;
	_ =	strace $0x90000047  }
0x58: {  	s0 =	sadd.s32 @!p0 $0x100000, s1;
	[bflag:$0x2] =	sbarrier.arrive $0xFFFF  }
0x59: {  	[sflag:s0] =	ssyncadd.tile.s32 @!p0 $0x1;
	_ =	shalt  }
.Lfunc_end2:
_tile_overlayer_lowered:
.L_overlay_start_2:
0x5a: {  	(tag) =	ssettag $0x2  }
0x5b: {  	s0 =	rddreg [dreg:$0x0];
	s2 =	stileid.u32  }
0x5c: {  	s1 =	rddreg [dreg:$0x1];
	p0 =	sne.s32 s2, $0x0  }
0x5d: {  	s3 =	rddreg [dreg:$0x2];
	[bflag:$0x3] =	sbarrier.arrive $0xFFFF;
	s2 =	simm.s32 @!p0 $0x1C02  }
0x5e: {  	[timem:s3], [sflag:s2] =	dma.local @!p0 [hbm:s0], s1  }
0x5f: {  	s0 =	simm.s32 @!p0 $0x2  }
0x60: {  	_ =	swait.ge @!p0 [sflag:s0], s1  }
0x61: {  	s1 =	ssub.s32 @!p0 $0x0, s1;
	[sflag:s0] =	ssyncset.done @!p0 $0x0  }
0x62: {  	[sflag:s0] =	ssyncadd.s32 @!p0 s1  }
0x63: {  	[bflag:$0x3] =	sbarrier.arrive $0xFFFF  }
0x64: {  	_ =	shalt  }

</sc_bundles>
